<compile_context>
chip_gen: v7x
topology: tpu7x:2x2x1
jax: 0.10.2.dev20260603
libtpu: 0.0.44.dev20260713+nightly
codegen_flags: <defaults>
</compile_context>

<pallas_src>
import dataclasses
import functools

import jax
import jax.numpy as jnp
from jax import lax
from jax.experimental import pallas as pl
from jax.experimental.pallas import tpu as pltpu
from jax.experimental.pallas import tpu_sc as plsc

NC = 2
NS = 16
L = 16
CH = 80


def _prep(x, prompt, W, a_src, a_dst):
    N, D = x.shape
    B = 1000
    grid = (N // B,)

    def body(x_ref, p_ref, w_ref, as_ref, ad_ref,
             hw_ref, es_ref, ed_ref, s_ref, smax_ref):
        i = pl.program_id(0)
        h = x_ref[...] + p_ref[...]
        hw = jnp.dot(h, w_ref[...], preferred_element_type=jnp.float32)
        hw_ref[...] = hw
        es = jnp.sum(hw * as_ref[...][None, :], axis=1)
        ed = jnp.sum(hw * ad_ref[...][None, :], axis=1)
        es_ref[...] = es[None, None, :]
        ed_ref[...] = ed[None, None, :]
        bm = jnp.max(es)

        @pl.when(i == 0)
        def _():
            smax_ref[0] = bm

        @pl.when(i > 0)
        def _():
            smax_ref[0] = jnp.maximum(smax_ref[0], bm)

        s_ref[...] = jnp.full((L,), smax_ref[0], jnp.float32)

    return pl.pallas_call(
        body,
        grid=grid,
        in_specs=[
            pl.BlockSpec((B, D), lambda i: (i, 0)),
            pl.BlockSpec((B, D), lambda i: (i, 0)),
            pl.BlockSpec((D, D), lambda i: (0, 0)),
            pl.BlockSpec((D,), lambda i: (0,)),
            pl.BlockSpec((D,), lambda i: (0,)),
        ],
        out_specs=[
            pl.BlockSpec((B, D), lambda i: (i, 0)),
            pl.BlockSpec((1, 1, B), lambda i: (i, 0, 0)),
            pl.BlockSpec((1, 1, B), lambda i: (i, 0, 0)),
            pl.BlockSpec((L,), lambda i: (0,)),
        ],
        out_shape=[
            jax.ShapeDtypeStruct((N, D), jnp.float32),
            jax.ShapeDtypeStruct((N // B, 1, B), jnp.float32),
            jax.ShapeDtypeStruct((N // B, 1, B), jnp.float32),
            jax.ShapeDtypeStruct((L,), jnp.float32),
        ],
        scratch_shapes=[pltpu.SMEM((1,), jnp.float32)],
    )(x, prompt, W, a_src, a_dst)


def _gat_sc(src, dst, e_src, e_dst, s16, hW):
    N, D = hW.shape
    E = src.shape[0]
    EB = E // (NC * NS)
    BL = 2000
    NCH = BL // CH
    SEG = 640
    SEG_LAST = N - SEG * (NS - 1)
    NP = SEG * NS

    mesh = plsc.VectorSubcoreMesh(core_axis_name="c", subcore_axis_name="s")
    cp = pltpu.CompilerParams()
    if "needs_layout_passes" in pltpu.CompilerParams.__dataclass_fields__:
        cp = dataclasses.replace(cp, needs_layout_passes=False)

    @functools.partial(
        pl.kernel,
        out_type=[
            jax.ShapeDtypeStruct((NC, N, D), jnp.float32),
            jax.ShapeDtypeStruct((NC, 1, NP), jnp.float32),
        ],
        mesh=mesh,
        compiler_params=cp,
        scratch_types=[
            pltpu.VMEM((BL,), jnp.int32),
            pltpu.VMEM((BL,), jnp.int32),
            pltpu.VMEM((N,), jnp.float32),
            pltpu.VMEM((N,), jnp.float32),
            pltpu.VMEM((L,), jnp.float32),
            pltpu.VMEM((CH,), jnp.float32),
            pltpu.VMEM((CH,), jnp.float32),
            pltpu.VMEM((CH,), jnp.int32),
            pltpu.VMEM((CH,), jnp.int32),
            pltpu.VMEM((CH, D), jnp.float32),
            pltpu.VMEM((CH, D), jnp.float32),
            pltpu.VMEM((SEG,), jnp.float32),
            pltpu.SemaphoreType.DMA,
            pltpu.SemaphoreType.DMA,
            pltpu.SemaphoreType.DMA,
            pltpu.SemaphoreType.DMA,
            pltpu.SemaphoreType.DMA,
            pltpu.SemaphoreType.DMA,
            pltpu.VMEM_SHARED((NP,), jnp.float32),
            pltpu.VMEM_SHARED((N, D), jnp.float32),
        ],
    )
    def k(src_hbm, dst_hbm, es_hbm, ed_hbm, s_hbm, hw_hbm, out_hbm, den_hbm,
          sidx, didx, es_tab, ed_tab, svec, exb0, exb1, dix0, dix1,
          rows0, rows1, zvec, gs0, gs1, rs0, rs1, es0, es1,
          denom_sh, acc_sh):
        cid = lax.axis_index("c")
        sid = lax.axis_index("s")
        SETS = ((rows0, exb0, dix0, gs0, rs0, es0),
                (rows1, exb1, dix1, gs1, rs1, es1))

        pltpu.sync_copy(es_hbm, es_tab)
        pltpu.sync_copy(ed_hbm, ed_tab)
        pltpu.sync_copy(s_hbm, svec)
        sv = svec[...]

        @pl.loop(0, SEG, step=L)
        def _(i):
            zvec[pl.ds(i, L)] = jnp.zeros((L,), jnp.float32)

        for rows, exb, dix, _, _, _ in SETS:
            @pl.loop(0, CH)
            def _(r, rows=rows):
                for j in range(D // L):
                    rows[r, pl.ds(j * L, L)] = jnp.zeros((L,), jnp.float32)

            @pl.loop(0, CH, step=L)
            def _(i, exb=exb, dix=dix):
                exb[pl.ds(i, L)] = jnp.zeros((L,), jnp.float32)
                dix[pl.ds(i, L)] = jnp.zeros((L,), jnp.int32)

        start = sid * SEG

        pltpu.sync_copy(zvec, denom_sh.at[pl.ds(start, SEG)])

        @pl.when(sid < NS - 1)
        def _():
            for j in range(SEG // CH):
                pltpu.sync_copy(rows0, acc_sh.at[pl.ds(start + j * CH, CH)])

        @pl.when(sid == NS - 1)
        def _():
            for j in range(SEG_LAST // CH):
                pltpu.sync_copy(rows0, acc_sh.at[pl.ds(start + j * CH, CH)])

        plsc.subcore_barrier()

        for rows, exb, dix, _, rs, es in SETS:
            pltpu.async_copy(rows, acc_sh.at[dix], rs, add=True)
            pltpu.async_copy(exb, denom_sh.at[dix], es, add=True)

        wid = cid * NS + sid
        base = wid * EB

        def gather(ch, s):
            rows, exb, dix, gs, rs, es = s
            pltpu.make_async_copy(rows, acc_sh.at[dix], rs).wait()
            pltpu.make_async_copy(exb, denom_sh.at[dix], es).wait()
            pltpu.make_async_copy(
                hw_hbm.at[sidx.at[pl.ds(ch, CH)]], rows, gs).start()

        def process(ch, s):
            rows, exb, dix, gs, rs, es = s
            NJ = CH // L
            svis = [sidx[pl.ds(ch + j * L, L)] for j in range(NJ)]
            dvis = [didx[pl.ds(ch + j * L, L)] for j in range(NJ)]
            ess = [plsc.load_gather(es_tab, [svis[j]]) for j in range(NJ)]
            eds = [plsc.load_gather(ed_tab, [dvis[j]]) for j in range(NJ)]
            for j in range(NJ):
                z = sv + eds[j]
                cv = jnp.maximum(z, 0.2 * z)
                t = ess[j] + eds[j]
                e = jnp.maximum(t, 0.2 * t)
                exb[pl.ds(j * L, L)] = jnp.exp(e - cv)
                dix[pl.ds(j * L, L)] = dvis[j]

            pltpu.make_async_copy(
                hw_hbm.at[sidx.at[pl.ds(ch, CH)]], rows, gs).wait()

            @plsc.parallel_loop(0, CH, 1, unroll=4)
            def _(kk):
                a = plsc.load_gather(exb, [jnp.full((L,), kk, jnp.int32)])
                for j in range(D // L):
                    rows[kk, pl.ds(j * L, L)] = rows[kk, pl.ds(j * L, L)] * a

            pltpu.async_copy(rows, acc_sh.at[dix], rs, add=True)
            pltpu.async_copy(exb, denom_sh.at[dix], es, add=True)

        @pl.loop(0, EB, step=BL)
        def _(blk):
            boff = pl.multiple_of(base + blk, 8)
            pltpu.sync_copy(src_hbm.at[pl.ds(boff, BL)], sidx)
            pltpu.sync_copy(dst_hbm.at[pl.ds(boff, BL)], didx)

            gather(0, SETS[0])

            @pl.loop(0, NCH, step=2)
            def _(q):
                ch0 = pl.multiple_of(q * CH, 8)
                ch1 = ch0 + CH

                @pl.when(ch1 < BL)
                def _():
                    gather(ch1, SETS[1])

                process(ch0, SETS[0])

                @pl.when(ch1 < BL)
                def _():
                    @pl.when(ch1 + CH < BL)
                    def _():
                        gather(ch1 + CH, SETS[0])

                    process(ch1, SETS[1])

        for rows, exb, dix, _, rs, es in SETS:
            pltpu.make_async_copy(rows, acc_sh.at[dix], rs).wait()
            pltpu.make_async_copy(exb, denom_sh.at[dix], es).wait()

        plsc.subcore_barrier()

        pltpu.sync_copy(denom_sh.at[pl.ds(start, SEG)],
                        den_hbm.at[cid, 0, pl.ds(start, SEG)])

        @pl.when(sid < NS - 1)
        def _():
            pltpu.sync_copy(acc_sh.at[pl.ds(start, SEG)],
                            out_hbm.at[cid, pl.ds(start, SEG)])

        @pl.when(sid == NS - 1)
        def _():
            pltpu.sync_copy(acc_sh.at[pl.ds(start, SEG_LAST)],
                            out_hbm.at[cid, pl.ds(start, SEG_LAST)])

    return k(src, dst, e_src, e_dst, s16, hW)


def _finalize(part, den):
    _, N, D = part.shape
    B = 1000

    def body(p_ref, d_ref, o_ref):
        dn = d_ref[:, 0] + d_ref[:, 1] + 1e-16
        o_ref[...] = (p_ref[0] + p_ref[1]) / dn[:, None]

    return pl.pallas_call(
        body,
        grid=(N // B,),
        in_specs=[
            pl.BlockSpec((2, B, D), lambda i: (0, i, 0)),
            pl.BlockSpec((B, 2), lambda i: (i, 0)),
        ],
        out_specs=pl.BlockSpec((B, D), lambda i: (i, 0)),
        out_shape=jax.ShapeDtypeStruct((N, D), jnp.float32),
    )(part, den[:, 0, :part.shape[1]].T)


def kernel(x, prompt, edge_index, W, a_src, a_dst):
    hW, e_src2, e_dst2, s16 = _prep(x, prompt, W, a_src, a_dst)
    e_src = e_src2.reshape(-1)
    e_dst = e_dst2.reshape(-1)
    part, den = _gat_sc(edge_index[0], edge_index[1], e_src, e_dst, s16, hW)
    return _finalize(part, den)

# --- scband reference (transcript-rebuilt; emitter-appended) ---
"""Pipeline reference for scband-gnn-73727408603313 (READ-ONLY COPY).

The authoritative reference and input builder live on the scoring server;
editing this copy changes nothing except your own understanding.
"""

import jax, jax.numpy as jnp
import numpy as np

N = 10000
E = 320000
D = 128


def setup_inputs(seed: int = 0) -> dict:
    key = jax.random.key(seed)
    k1, k2, k3, k4, k5, k6 = jax.random.split(key, 6)
    x = jax.random.normal(k1, (N, D), dtype=jnp.float32)
    prompt = jax.random.normal(k2, (N, D), dtype=jnp.float32) * 0.05
    edge_index = jax.random.randint(k3, (2, E), 0, N, dtype=jnp.int32)
    W = jax.random.normal(k4, (D, D), dtype=jnp.float32) / np.sqrt(D)
    a_src = jax.random.normal(k5, (D,), dtype=jnp.float32) / np.sqrt(D)
    a_dst = jax.random.normal(k6, (D,), dtype=jnp.float32) / np.sqrt(D)
    return {"x": x, "prompt": prompt, "edge_index": edge_index, "W": W, "a_src": a_src, "a_dst": a_dst}


def reference(x, prompt, edge_index, W, a_src, a_dst):
    # prompt is added to the source-node input features (blocks[0].srcdata['features'])
    h = x + prompt
    # pre_model: single GAT message-passing layer (gnn_type='gat')
    hW = h @ W                      # [N, D]
    src = edge_index[0]
    dst = edge_index[1]
    e_src = hW @ a_src              # [N]
    e_dst = hW @ a_dst              # [N]
    e = jax.nn.leaky_relu(e_src[src] + e_dst[dst], negative_slope=0.2)  # [E]
    # segment softmax over destination nodes
    m = jax.ops.segment_max(e, dst, num_segments=N)
    m = jnp.where(jnp.isfinite(m), m, 0.0)
    ex = jnp.exp(e - m[dst])
    denom = jax.ops.segment_sum(ex, dst, num_segments=N)
    alpha = ex / (denom[dst] + 1e-16)
    msg = hW[src] * alpha[:, None]  # [E, D]
    out = jax.ops.segment_sum(msg, dst, num_segments=N)  # [N, D]
    # JK == 'last': node representation is the output of the last layer
    node_representation = out
    return node_representation

if __name__ == "__main__":
    import jax
    _d = setup_inputs()
    print(jax.jit(kernel)(*tuple(_d.values())))

</pallas_src>

<mosaic_0001>
#map = affine_map<(d0, d1) -> (0)>
#map1 = affine_map<(d0, d1) -> (0, 0)>
#map2 = affine_map<(d0, d1) -> (0, 0, 0)>
module attributes {stable_mosaic.version = 14 : i64} {
  func.func @k(%arg0: i32, %arg1: i32, %arg2: memref<320000xi32, #tpu.memory_space<hbm>>, %arg3: memref<320000xi32, #tpu.memory_space<hbm>>, %arg4: memref<10000xf32, #tpu.memory_space<hbm>>, %arg5: memref<10000xf32, #tpu.memory_space<hbm>>, %arg6: memref<16xf32, #tpu.memory_space<hbm>>, %arg7: memref<10000x128xf32, #tpu.memory_space<hbm>>, %arg8: memref<2x10000x128xf32, #tpu.memory_space<hbm>>, %arg9: memref<2x1x10240xf32, #tpu.memory_space<hbm>>, %arg10: memref<2000xi32, #tpu.memory_space<vmem>>, %arg11: memref<2000xi32, #tpu.memory_space<vmem>>, %arg12: memref<10000xf32, #tpu.memory_space<vmem>>, %arg13: memref<10000xf32, #tpu.memory_space<vmem>>, %arg14: memref<16xf32, #tpu.memory_space<vmem>>, %arg15: memref<80xf32, #tpu.memory_space<vmem>>, %arg16: memref<80xf32, #tpu.memory_space<vmem>>, %arg17: memref<80xi32, #tpu.memory_space<vmem>>, %arg18: memref<80xi32, #tpu.memory_space<vmem>>, %arg19: memref<80x128xf32, #tpu.memory_space<vmem>>, %arg20: memref<80x128xf32, #tpu.memory_space<vmem>>, %arg21: memref<640xf32, #tpu.memory_space<vmem>>, %arg22: memref<!tpu.dma_semaphore, #tpu.memory_space<semaphore_mem>>, %arg23: memref<!tpu.dma_semaphore, #tpu.memory_space<semaphore_mem>>, %arg24: memref<!tpu.dma_semaphore, #tpu.memory_space<semaphore_mem>>, %arg25: memref<!tpu.dma_semaphore, #tpu.memory_space<semaphore_mem>>, %arg26: memref<!tpu.dma_semaphore, #tpu.memory_space<semaphore_mem>>, %arg27: memref<!tpu.dma_semaphore, #tpu.memory_space<semaphore_mem>>, %arg28: memref<10240xf32, #tpu.memory_space<vmem_shared>>, %arg29: memref<10000x128xf32, #tpu.memory_space<vmem_shared>>) attributes {dimension_semantics = [#tpu.dimension_semantics<core_parallel>, #tpu.dimension_semantics<subcore_parallel>], iteration_bounds = array<i64: 2, 16>, scalar_prefetch = 0 : i64, scratch_operands = 20 : i64, tpu.core_type = #tpu.core_type<sc_vector_subcore>, window_params = [{transform_indices = #map}, {transform_indices = #map}, {transform_indices = #map}, {transform_indices = #map}, {transform_indices = #map}, {transform_indices = #map1}, {transform_indices = #map2}, {transform_indices = #map2}]} {
    "tpu.region"() ({
      %run_scoped3A_70 = tpu.sem_alloc : memref<!tpu.dma_semaphore, #tpu.memory_space<semaphore_mem>>
      tpu.enqueue_dma source(%arg4 : memref<10000xf32, #tpu.memory_space<hbm>>) target(%arg12 : memref<10000xf32, #tpu.memory_space<vmem>>) target_semaphore(%run_scoped3A_70 : memref<!tpu.dma_semaphore, #tpu.memory_space<semaphore_mem>>)
      tpu.wait_dma2 semaphore(%run_scoped3A_70 : memref<!tpu.dma_semaphore, #tpu.memory_space<semaphore_mem>>) src(%arg4 : memref<10000xf32, #tpu.memory_space<hbm>>) dst(%arg12 : memref<10000xf32, #tpu.memory_space<vmem>>)
      tpu.yield
    }) : () -> ()
    "tpu.region"() ({
      %run_scoped3A_70 = tpu.sem_alloc : memref<!tpu.dma_semaphore, #tpu.memory_space<semaphore_mem>>
      tpu.enqueue_dma source(%arg5 : memref<10000xf32, #tpu.memory_space<hbm>>) target(%arg13 : memref<10000xf32, #tpu.memory_space<vmem>>) target_semaphore(%run_scoped3A_70 : memref<!tpu.dma_semaphore, #tpu.memory_space<semaphore_mem>>)
      tpu.wait_dma2 semaphore(%run_scoped3A_70 : memref<!tpu.dma_semaphore, #tpu.memory_space<semaphore_mem>>) src(%arg5 : memref<10000xf32, #tpu.memory_space<hbm>>) dst(%arg13 : memref<10000xf32, #tpu.memory_space<vmem>>)
      tpu.yield
    }) : () -> ()
    "tpu.region"() ({
      %run_scoped3A_70 = tpu.sem_alloc : memref<!tpu.dma_semaphore, #tpu.memory_space<semaphore_mem>>
      tpu.enqueue_dma source(%arg6 : memref<16xf32, #tpu.memory_space<hbm>>) target(%arg14 : memref<16xf32, #tpu.memory_space<vmem>>) target_semaphore(%run_scoped3A_70 : memref<!tpu.dma_semaphore, #tpu.memory_space<semaphore_mem>>)
      tpu.wait_dma2 semaphore(%run_scoped3A_70 : memref<!tpu.dma_semaphore, #tpu.memory_space<semaphore_mem>>) src(%arg6 : memref<16xf32, #tpu.memory_space<hbm>>) dst(%arg14 : memref<16xf32, #tpu.memory_space<vmem>>)
      tpu.yield
    }) : () -> ()
    %get3A = arith.constant 0 : index
    %get3A_0 = tpu.vector_load %arg14[%get3A] {strides = array<i32>} : memref<16xf32, #tpu.memory_space<vmem>>, vector<16xf32>,
    %scan3A = arith.constant 0 : i32
    %scan3A_1 = arith.constant 40 : i32
    %scan3A_2 = arith.addi %scan3A, %scan3A_1 : i32
    %scan3A_3 = arith.constant 1 : i32
    scf.for %scan3A_70 = %scan3A to %scan3A_2 step %scan3A_3  : i32 {
      %mul3A_71 = arith.constant 16 : i32
      %mul3A_72 = arith.muli %scan3A_70, %mul3A_71 : i32
      %add3A_73 = arith.constant 0 : i32
      %add3A_74 = arith.addi %add3A_73, %mul3A_72 : i32
      %broadcast_in_dim3A = arith.constant 0.000000e+00 : f32
      %broadcast_in_dim3A_75 = vector.broadcast %broadcast_in_dim3A : f32 to vector<16xf32>
      %swap3A = arith.index_cast %add3A_74 : i32 to index
      %swap3A_76 = tpu.vector_load %arg21[%swap3A] {strides = array<i32>} : memref<640xf32, #tpu.memory_space<vmem>>, vector<16xf32>,
      tpu.vector_store %arg21[%swap3A], %broadcast_in_dim3A_75 {strides = array<i32>} : memref<640xf32, #tpu.memory_space<vmem>>, vector<16xf32>,
    }
    %scan3A_4 = arith.constant 40 : i32
    %scan3A_5 = arith.constant 0 : i32
    %scan3A_6 = arith.constant 80 : i32
    %scan3A_7 = arith.addi %scan3A_5, %scan3A_6 : i32
    %scan3A_8 = arith.constant 1 : i32
    scf.for %scan3A_70 = %scan3A_5 to %scan3A_7 step %scan3A_8  : i32 {
      %mul3A_71 = arith.constant 1 : i32
      %mul3A_72 = arith.muli %scan3A_70, %mul3A_71 : i32
      %add3A_73 = arith.constant 0 : i32
      %add3A_74 = arith.addi %add3A_73, %mul3A_72 : i32
      %broadcast_in_dim3A = arith.constant 0.000000e+00 : f32
      %broadcast_in_dim3A_75 = vector.broadcast %broadcast_in_dim3A : f32 to vector<16xf32>
      %swap3A = arith.index_cast %add3A_74 : i32 to index
      %swap3A_76 = arith.constant 0 : index
      %swap3A_77 = tpu.vector_load %arg19[%swap3A, %swap3A_76] {strides = array<i32>} : memref<80x128xf32, #tpu.memory_space<vmem>>, vector<16xf32>,
      tpu.vector_store %arg19[%swap3A, %swap3A_76], %broadcast_in_dim3A_75 {strides = array<i32>} : memref<80x128xf32, #tpu.memory_space<vmem>>, vector<16xf32>,
      %broadcast_in_dim3A_78 = arith.constant 0.000000e+00 : f32
      %broadcast_in_dim3A_79 = vector.broadcast %broadcast_in_dim3A_78 : f32 to vector<16xf32>
      %swap3A_80 = arith.index_cast %add3A_74 : i32 to index
      %swap3A_81 = arith.constant 16 : index
      %swap3A_82 = tpu.vector_load %arg19[%swap3A_80, %swap3A_81] {strides = array<i32>} : memref<80x128xf32, #tpu.memory_space<vmem>>, vector<16xf32>,
      tpu.vector_store %arg19[%swap3A_80, %swap3A_81], %broadcast_in_dim3A_79 {strides = array<i32>} : memref<80x128xf32, #tpu.memory_space<vmem>>, vector<16xf32>,
      %broadcast_in_dim3A_83 = arith.constant 0.000000e+00 : f32
      %broadcast_in_dim3A_84 = vector.broadcast %broadcast_in_dim3A_83 : f32 to vector<16xf32>
      %swap3A_85 = arith.index_cast %add3A_74 : i32 to index
      %swap3A_86 = arith.constant 32 : index
      %swap3A_87 = tpu.vector_load %arg19[%swap3A_85, %swap3A_86] {strides = array<i32>} : memref<80x128xf32, #tpu.memory_space<vmem>>, vector<16xf32>,
      tpu.vector_store %arg19[%swap3A_85, %swap3A_86], %broadcast_in_dim3A_84 {strides = array<i32>} : memref<80x128xf32, #tpu.memory_space<vmem>>, vector<16xf32>,
      %broadcast_in_dim3A_88 = arith.constant 0.000000e+00 : f32
      %broadcast_in_dim3A_89 = vector.broadcast %broadcast_in_dim3A_88 : f32 to vector<16xf32>
      %swap3A_90 = arith.index_cast %add3A_74 : i32 to index
      %swap3A_91 = arith.constant 48 : index
      %swap3A_92 = tpu.vector_load %arg19[%swap3A_90, %swap3A_91] {strides = array<i32>} : memref<80x128xf32, #tpu.memory_space<vmem>>, vector<16xf32>,
      tpu.vector_store %arg19[%swap3A_90, %swap3A_91], %broadcast_in_dim3A_89 {strides = array<i32>} : memref<80x128xf32, #tpu.memory_space<vmem>>, vector<16xf32>,
      %broadcast_in_dim3A_93 = arith.constant 0.000000e+00 : f32
      %broadcast_in_dim3A_94 = vector.broadcast %broadcast_in_dim3A_93 : f32 to vector<16xf32>
      %swap3A_95 = arith.index_cast %add3A_74 : i32 to index
      %swap3A_96 = arith.constant 64 : index
      %swap3A_97 = tpu.vector_load %arg19[%swap3A_95, %swap3A_96] {strides = array<i32>} : memref<80x128xf32, #tpu.memory_space<vmem>>, vector<16xf32>,
      tpu.vector_store %arg19[%swap3A_95, %swap3A_96], %broadcast_in_dim3A_94 {strides = array<i32>} : memref<80x128xf32, #tpu.memory_space<vmem>>, vector<16xf32>,
      %broadcast_in_dim3A_98 = arith.constant 0.000000e+00 : f32
      %broadcast_in_dim3A_99 = vector.broadcast %broadcast_in_dim3A_98 : f32 to vector<16xf32>
      %swap3A_100 = arith.index_cast %add3A_74 : i32 to index
      %swap3A_101 = arith.constant 80 : index
      %swap3A_102 = tpu.vector_load %arg19[%swap3A_100, %swap3A_101] {strides = array<i32>} : memref<80x128xf32, #tpu.memory_space<vmem>>, vector<16xf32>,
      tpu.vector_store %arg19[%swap3A_100, %swap3A_101], %broadcast_in_dim3A_99 {strides = array<i32>} : memref<80x128xf32, #tpu.memory_space<vmem>>, vector<16xf32>,
      %broadcast_in_dim3A_103 = arith.constant 0.000000e+00 : f32
      %broadcast_in_dim3A_104 = vector.broadcast %broadcast_in_dim3A_103 : f32 to vector<16xf32>
      %swap3A_105 = arith.index_cast %add3A_74 : i32 to index
      %swap3A_106 = arith.constant 96 : index
      %swap3A_107 = tpu.vector_load %arg19[%swap3A_105, %swap3A_106] {strides = array<i32>} : memref<80x128xf32, #tpu.memory_space<vmem>>, vector<16xf32>,
      tpu.vector_store %arg19[%swap3A_105, %swap3A_106], %broadcast_in_dim3A_104 {strides = array<i32>} : memref<80x128xf32, #tpu.memory_space<vmem>>, vector<16xf32>,
      %broadcast_in_dim3A_108 = arith.constant 0.000000e+00 : f32
      %broadcast_in_dim3A_109 = vector.broadcast %broadcast_in_dim3A_108 : f32 to vector<16xf32>
      %swap3A_110 = arith.index_cast %add3A_74 : i32 to index
      %swap3A_111 = arith.constant 112 : index
      %swap3A_112 = tpu.vector_load %arg19[%swap3A_110, %swap3A_111] {strides = array<i32>} : memref<80x128xf32, #tpu.memory_space<vmem>>, vector<16xf32>,
      tpu.vector_store %arg19[%swap3A_110, %swap3A_111], %broadcast_in_dim3A_109 {strides = array<i32>} : memref<80x128xf32, #tpu.memory_space<vmem>>, vector<16xf32>,
    }
    %scan3A_9 = arith.constant 80 : i32
    %scan3A_10 = arith.constant 0 : i32
    %scan3A_11 = arith.constant 5 : i32
    %scan3A_12 = arith.addi %scan3A_10, %scan3A_11 : i32
    %scan3A_13 = arith.constant 1 : i32
    scf.for %scan3A_70 = %scan3A_10 to %scan3A_12 step %scan3A_13  : i32 {
      %mul3A_71 = arith.constant 16 : i32
      %mul3A_72 = arith.muli %scan3A_70, %mul3A_71 : i32
      %add3A_73 = arith.constant 0 : i32
      %add3A_74 = arith.addi %add3A_73, %mul3A_72 : i32
      %broadcast_in_dim3A = arith.constant 0.000000e+00 : f32
      %broadcast_in_dim3A_75 = vector.broadcast %broadcast_in_dim3A : f32 to vector<16xf32>
      %swap3A = arith.index_cast %add3A_74 : i32 to index
      %swap3A_76 = tpu.vector_load %arg15[%swap3A] {strides = array<i32>} : memref<80xf32, #tpu.memory_space<vmem>>, vector<16xf32>,
      tpu.vector_store %arg15[%swap3A], %broadcast_in_dim3A_75 {strides = array<i32>} : memref<80xf32, #tpu.memory_space<vmem>>, vector<16xf32>,
      %broadcast_in_dim3A_77 = arith.constant 0 : i32
      %broadcast_in_dim3A_78 = vector.broadcast %broadcast_in_dim3A_77 : i32 to vector<16xi32>
      %swap3A_79 = arith.index_cast %add3A_74 : i32 to index
      %swap3A_80 = tpu.vector_load %arg17[%swap3A_79] {strides = array<i32>} : memref<80xi32, #tpu.memory_space<vmem>>, vector<16xi32>,
      tpu.vector_store %arg17[%swap3A_79], %broadcast_in_dim3A_78 {strides = array<i32>} : memref<80xi32, #tpu.memory_space<vmem>>, vector<16xi32>,
    }
    %scan3A_14 = arith.constant 5 : i32
    %scan3A_15 = arith.constant 0 : i32
    %scan3A_16 = arith.constant 80 : i32
    %scan3A_17 = arith.addi %scan3A_15, %scan3A_16 : i32
    %scan3A_18 = arith.constant 1 : i32
    scf.for %scan3A_70 = %scan3A_15 to %scan3A_17 step %scan3A_18  : i32 {
      %mul3A_71 = arith.constant 1 : i32
      %mul3A_72 = arith.muli %scan3A_70, %mul3A_71 : i32
      %add3A_73 = arith.constant 0 : i32
      %add3A_74 = arith.addi %add3A_73, %mul3A_72 : i32
      %broadcast_in_dim3A = arith.constant 0.000000e+00 : f32
      %broadcast_in_dim3A_75 = vector.broadcast %broadcast_in_dim3A : f32 to vector<16xf32>
      %swap3A = arith.index_cast %add3A_74 : i32 to index
      %swap3A_76 = arith.constant 0 : index
      %swap3A_77 = tpu.vector_load %arg20[%swap3A, %swap3A_76] {strides = array<i32>} : memref<80x128xf32, #tpu.memory_space<vmem>>, vector<16xf32>,
      tpu.vector_store %arg20[%swap3A, %swap3A_76], %broadcast_in_dim3A_75 {strides = array<i32>} : memref<80x128xf32, #tpu.memory_space<vmem>>, vector<16xf32>,
      %broadcast_in_dim3A_78 = arith.constant 0.000000e+00 : f32
      %broadcast_in_dim3A_79 = vector.broadcast %broadcast_in_dim3A_78 : f32 to vector<16xf32>
      %swap3A_80 = arith.index_cast %add3A_74 : i32 to index
      %swap3A_81 = arith.constant 16 : index
      %swap3A_82 = tpu.vector_load %arg20[%swap3A_80, %swap3A_81] {strides = array<i32>} : memref<80x128xf32, #tpu.memory_space<vmem>>, vector<16xf32>,
      tpu.vector_store %arg20[%swap3A_80, %swap3A_81], %broadcast_in_dim3A_79 {strides = array<i32>} : memref<80x128xf32, #tpu.memory_space<vmem>>, vector<16xf32>,
      %broadcast_in_dim3A_83 = arith.constant 0.000000e+00 : f32
      %broadcast_in_dim3A_84 = vector.broadcast %broadcast_in_dim3A_83 : f32 to vector<16xf32>
      %swap3A_85 = arith.index_cast %add3A_74 : i32 to index
      %swap3A_86 = arith.constant 32 : index
      %swap3A_87 = tpu.vector_load %arg20[%swap3A_85, %swap3A_86] {strides = array<i32>} : memref<80x128xf32, #tpu.memory_space<vmem>>, vector<16xf32>,
      tpu.vector_store %arg20[%swap3A_85, %swap3A_86], %broadcast_in_dim3A_84 {strides = array<i32>} : memref<80x128xf32, #tpu.memory_space<vmem>>, vector<16xf32>,
      %broadcast_in_dim3A_88 = arith.constant 0.000000e+00 : f32
      %broadcast_in_dim3A_89 = vector.broadcast %broadcast_in_dim3A_88 : f32 to vector<16xf32>
      %swap3A_90 = arith.index_cast %add3A_74 : i32 to index
      %swap3A_91 = arith.constant 48 : index
      %swap3A_92 = tpu.vector_load %arg20[%swap3A_90, %swap3A_91] {strides = array<i32>} : memref<80x128xf32, #tpu.memory_space<vmem>>, vector<16xf32>,
      tpu.vector_store %arg20[%swap3A_90, %swap3A_91], %broadcast_in_dim3A_89 {strides = array<i32>} : memref<80x128xf32, #tpu.memory_space<vmem>>, vector<16xf32>,
      %broadcast_in_dim3A_93 = arith.constant 0.000000e+00 : f32
      %broadcast_in_dim3A_94 = vector.broadcast %broadcast_in_dim3A_93 : f32 to vector<16xf32>
      %swap3A_95 = arith.index_cast %add3A_74 : i32 to index
      %swap3A_96 = arith.constant 64 : index
      %swap3A_97 = tpu.vector_load %arg20[%swap3A_95, %swap3A_96] {strides = array<i32>} : memref<80x128xf32, #tpu.memory_space<vmem>>, vector<16xf32>,
      tpu.vector_store %arg20[%swap3A_95, %swap3A_96], %broadcast_in_dim3A_94 {strides = array<i32>} : memref<80x128xf32, #tpu.memory_space<vmem>>, vector<16xf32>,
      %broadcast_in_dim3A_98 = arith.constant 0.000000e+00 : f32
      %broadcast_in_dim3A_99 = vector.broadcast %broadcast_in_dim3A_98 : f32 to vector<16xf32>
      %swap3A_100 = arith.index_cast %add3A_74 : i32 to index
      %swap3A_101 = arith.constant 80 : index
      %swap3A_102 = tpu.vector_load %arg20[%swap3A_100, %swap3A_101] {strides = array<i32>} : memref<80x128xf32, #tpu.memory_space<vmem>>, vector<16xf32>,
      tpu.vector_store %arg20[%swap3A_100, %swap3A_101], %broadcast_in_dim3A_99 {strides = array<i32>} : memref<80x128xf32, #tpu.memory_space<vmem>>, vector<16xf32>,
      %broadcast_in_dim3A_103 = arith.constant 0.000000e+00 : f32
      %broadcast_in_dim3A_104 = vector.broadcast %broadcast_in_dim3A_103 : f32 to vector<16xf32>
      %swap3A_105 = arith.index_cast %add3A_74 : i32 to index
      %swap3A_106 = arith.constant 96 : index
      %swap3A_107 = tpu.vector_load %arg20[%swap3A_105, %swap3A_106] {strides = array<i32>} : memref<80x128xf32, #tpu.memory_space<vmem>>, vector<16xf32>,
      tpu.vector_store %arg20[%swap3A_105, %swap3A_106], %broadcast_in_dim3A_104 {strides = array<i32>} : memref<80x128xf32, #tpu.memory_space<vmem>>, vector<16xf32>,
      %broadcast_in_dim3A_108 = arith.constant 0.000000e+00 : f32
      %broadcast_in_dim3A_109 = vector.broadcast %broadcast_in_dim3A_108 : f32 to vector<16xf32>
      %swap3A_110 = arith.index_cast %add3A_74 : i32 to index
      %swap3A_111 = arith.constant 112 : index
      %swap3A_112 = tpu.vector_load %arg20[%swap3A_110, %swap3A_111] {strides = array<i32>} : memref<80x128xf32, #tpu.memory_space<vmem>>, vector<16xf32>,
      tpu.vector_store %arg20[%swap3A_110, %swap3A_111], %broadcast_in_dim3A_109 {strides = array<i32>} : memref<80x128xf32, #tpu.memory_space<vmem>>, vector<16xf32>,
    }
    %scan3A_19 = arith.constant 80 : i32
    %scan3A_20 = arith.constant 0 : i32
    %scan3A_21 = arith.constant 5 : i32
    %scan3A_22 = arith.addi %scan3A_20, %scan3A_21 : i32
    %scan3A_23 = arith.constant 1 : i32
    scf.for %scan3A_70 = %scan3A_20 to %scan3A_22 step %scan3A_23  : i32 {
      %mul3A_71 = arith.constant 16 : i32
      %mul3A_72 = arith.muli %scan3A_70, %mul3A_71 : i32
      %add3A_73 = arith.constant 0 : i32
      %add3A_74 = arith.addi %add3A_73, %mul3A_72 : i32
      %broadcast_in_dim3A = arith.constant 0.000000e+00 : f32
      %broadcast_in_dim3A_75 = vector.broadcast %broadcast_in_dim3A : f32 to vector<16xf32>
      %swap3A = arith.index_cast %add3A_74 : i32 to index
      %swap3A_76 = tpu.vector_load %arg16[%swap3A] {strides = array<i32>} : memref<80xf32, #tpu.memory_space<vmem>>, vector<16xf32>,
      tpu.vector_store %arg16[%swap3A], %broadcast_in_dim3A_75 {strides = array<i32>} : memref<80xf32, #tpu.memory_space<vmem>>, vector<16xf32>,
      %broadcast_in_dim3A_77 = arith.constant 0 : i32
      %broadcast_in_dim3A_78 = vector.broadcast %broadcast_in_dim3A_77 : i32 to vector<16xi32>
      %swap3A_79 = arith.index_cast %add3A_74 : i32 to index
      %swap3A_80 = tpu.vector_load %arg18[%swap3A_79] {strides = array<i32>} : memref<80xi32, #tpu.memory_space<vmem>>, vector<16xi32>,
      tpu.vector_store %arg18[%swap3A_79], %broadcast_in_dim3A_78 {strides = array<i32>} : memref<80xi32, #tpu.memory_space<vmem>>, vector<16xi32>,
    }
    %scan3A_24 = arith.constant 5 : i32
    %mul3A = arith.constant 640 : i32
    %mul3A_25 = arith.muli %arg1, %mul3A : i32
    "tpu.region"() ({
      %run_scoped3A_70 = tpu.sem_alloc : memref<!tpu.dma_semaphore, #tpu.memory_space<semaphore_mem>>
      %dma_start3A_71 = tpu.memref_slice %arg28[%mul3A_25] : memref<10240xf32, #tpu.memory_space<vmem_shared>> -> memref<640xf32, #tpu.memory_space<vmem_shared>>
      %dma_start3A_72 = tpu.memref_slice %arg28[%mul3A_25] : memref<10240xf32, #tpu.memory_space<vmem_shared>> -> memref<640xf32, #tpu.memory_space<vmem_shared>>
      tpu.enqueue_dma source(%arg21 : memref<640xf32, #tpu.memory_space<vmem>>) target(%dma_start3A_72 : memref<640xf32, #tpu.memory_space<vmem_shared>>) target_semaphore(%run_scoped3A_70 : memref<!tpu.dma_semaphore, #tpu.memory_space<semaphore_mem>>)
      %dma_wait3A_73 = tpu.memref_slice %arg28[%mul3A_25] : memref<10240xf32, #tpu.memory_space<vmem_shared>> -> memref<640xf32, #tpu.memory_space<vmem_shared>>
      %dma_wait3A_74 = tpu.memref_slice %arg28[%mul3A_25] : memref<10240xf32, #tpu.memory_space<vmem_shared>> -> memref<640xf32, #tpu.memory_space<vmem_shared>>
      tpu.wait_dma2 semaphore(%run_scoped3A_70 : memref<!tpu.dma_semaphore, #tpu.memory_space<semaphore_mem>>) src(%arg21 : memref<640xf32, #tpu.memory_space<vmem>>) dst(%dma_wait3A_74 : memref<640xf32, #tpu.memory_space<vmem_shared>>)
      tpu.yield
    }) : () -> ()
    %lt3A = arith.constant 15 : i32
    %lt3A_26 = arith.cmpi slt, %arg1, %lt3A : i32
    %convert_element_type3A = arith.extui %lt3A_26 : i1 to i32
    %cond3A = arith.constant 0 : i32
    %cond3A_27 = arith.cmpi ne, %convert_element_type3A, %cond3A : i32
    scf.if %cond3A_27 {
      %add3A_70 = arith.constant 0 : i32
      %add3A_71 = arith.addi %mul3A_25, %add3A_70 : i32
      "tpu.region"() ({
        %run_scoped3A_86 = tpu.sem_alloc : memref<!tpu.dma_semaphore, #tpu.memory_space<semaphore_mem>>
        %dma_start3A_87 = arith.constant 0 : i32
        %dma_start3A_88 = tpu.memref_slice %arg29[%add3A_71, %dma_start3A_87] : memref<10000x128xf32, #tpu.memory_space<vmem_shared>> -> memref<80x128xf32, #tpu.memory_space<vmem_shared>>
        %dma_start3A_89 = arith.constant 0 : i32
        %dma_start3A_90 = tpu.memref_slice %arg29[%add3A_71, %dma_start3A_89] : memref<10000x128xf32, #tpu.memory_space<vmem_shared>> -> memref<80x128xf32, #tpu.memory_space<vmem_shared>>
        tpu.enqueue_dma source(%arg19 : memref<80x128xf32, #tpu.memory_space<vmem>>) target(%dma_start3A_90 : memref<80x128xf32, #tpu.memory_space<vmem_shared>>) target_semaphore(%run_scoped3A_86 : memref<!tpu.dma_semaphore, #tpu.memory_space<semaphore_mem>>)
        %dma_wait3A_91 = arith.constant 0 : i32
        %dma_wait3A_92 = tpu.memref_slice %arg29[%add3A_71, %dma_wait3A_91] : memref<10000x128xf32, #tpu.memory_space<vmem_shared>> -> memref<80x128xf32, #tpu.memory_space<vmem_shared>>
        %dma_wait3A_93 = arith.constant 0 : i32
        %dma_wait3A_94 = tpu.memref_slice %arg29[%add3A_71, %dma_wait3A_93] : memref<10000x128xf32, #tpu.memory_space<vmem_shared>> -> memref<80x128xf32, #tpu.memory_space<vmem_shared>>
        tpu.wait_dma2 semaphore(%run_scoped3A_86 : memref<!tpu.dma_semaphore, #tpu.memory_space<semaphore_mem>>) src(%arg19 : memref<80x128xf32, #tpu.memory_space<vmem>>) dst(%dma_wait3A_94 : memref<80x128xf32, #tpu.memory_space<vmem_shared>>)
        tpu.yield
      }) : () -> ()
      %add3A_72 = arith.constant 80 : i32
      %add3A_73 = arith.addi %mul3A_25, %add3A_72 : i32
      "tpu.region"() ({
        %run_scoped3A_86 = tpu.sem_alloc : memref<!tpu.dma_semaphore, #tpu.memory_space<semaphore_mem>>
        %dma_start3A_87 = arith.constant 0 : i32
        %dma_start3A_88 = tpu.memref_slice %arg29[%add3A_73, %dma_start3A_87] : memref<10000x128xf32, #tpu.memory_space<vmem_shared>> -> memref<80x128xf32, #tpu.memory_space<vmem_shared>>
        %dma_start3A_89 = arith.constant 0 : i32
        %dma_start3A_90 = tpu.memref_slice %arg29[%add3A_73, %dma_start3A_89] : memref<10000x128xf32, #tpu.memory_space<vmem_shared>> -> memref<80x128xf32, #tpu.memory_space<vmem_shared>>
        tpu.enqueue_dma source(%arg19 : memref<80x128xf32, #tpu.memory_space<vmem>>) target(%dma_start3A_90 : memref<80x128xf32, #tpu.memory_space<vmem_shared>>) target_semaphore(%run_scoped3A_86 : memref<!tpu.dma_semaphore, #tpu.memory_space<semaphore_mem>>)
        %dma_wait3A_91 = arith.constant 0 : i32
        %dma_wait3A_92 = tpu.memref_slice %arg29[%add3A_73, %dma_wait3A_91] : memref<10000x128xf32, #tpu.memory_space<vmem_shared>> -> memref<80x128xf32, #tpu.memory_space<vmem_shared>>
        %dma_wait3A_93 = arith.constant 0 : i32
        %dma_wait3A_94 = tpu.memref_slice %arg29[%add3A_73, %dma_wait3A_93] : memref<10000x128xf32, #tpu.memory_space<vmem_shared>> -> memref<80x128xf32, #tpu.memory_space<vmem_shared>>
        tpu.wait_dma2 semaphore(%run_scoped3A_86 : memref<!tpu.dma_semaphore, #tpu.memory_space<semaphore_mem>>) src(%arg19 : memref<80x128xf32, #tpu.memory_space<vmem>>) dst(%dma_wait3A_94 : memref<80x128xf32, #tpu.memory_space<vmem_shared>>)
        tpu.yield
      }) : () -> ()
      %add3A_74 = arith.constant 160 : i32
      %add3A_75 = arith.addi %mul3A_25, %add3A_74 : i32
      "tpu.region"() ({
        %run_scoped3A_86 = tpu.sem_alloc : memref<!tpu.dma_semaphore, #tpu.memory_space<semaphore_mem>>
        %dma_start3A_87 = arith.constant 0 : i32
        %dma_start3A_88 = tpu.memref_slice %arg29[%add3A_75, %dma_start3A_87] : memref<10000x128xf32, #tpu.memory_space<vmem_shared>> -> memref<80x128xf32, #tpu.memory_space<vmem_shared>>
        %dma_start3A_89 = arith.constant 0 : i32
        %dma_start3A_90 = tpu.memref_slice %arg29[%add3A_75, %dma_start3A_89] : memref<10000x128xf32, #tpu.memory_space<vmem_shared>> -> memref<80x128xf32, #tpu.memory_space<vmem_shared>>
        tpu.enqueue_dma source(%arg19 : memref<80x128xf32, #tpu.memory_space<vmem>>) target(%dma_start3A_90 : memref<80x128xf32, #tpu.memory_space<vmem_shared>>) target_semaphore(%run_scoped3A_86 : memref<!tpu.dma_semaphore, #tpu.memory_space<semaphore_mem>>)
        %dma_wait3A_91 = arith.constant 0 : i32
        %dma_wait3A_92 = tpu.memref_slice %arg29[%add3A_75, %dma_wait3A_91] : memref<10000x128xf32, #tpu.memory_space<vmem_shared>> -> memref<80x128xf32, #tpu.memory_space<vmem_shared>>
        %dma_wait3A_93 = arith.constant 0 : i32
        %dma_wait3A_94 = tpu.memref_slice %arg29[%add3A_75, %dma_wait3A_93] : memref<10000x128xf32, #tpu.memory_space<vmem_shared>> -> memref<80x128xf32, #tpu.memory_space<vmem_shared>>
        tpu.wait_dma2 semaphore(%run_scoped3A_86 : memref<!tpu.dma_semaphore, #tpu.memory_space<semaphore_mem>>) src(%arg19 : memref<80x128xf32, #tpu.memory_space<vmem>>) dst(%dma_wait3A_94 : memref<80x128xf32, #tpu.memory_space<vmem_shared>>)
        tpu.yield
      }) : () -> ()
      %add3A_76 = arith.constant 240 : i32
      %add3A_77 = arith.addi %mul3A_25, %add3A_76 : i32
      "tpu.region"() ({
        %run_scoped3A_86 = tpu.sem_alloc : memref<!tpu.dma_semaphore, #tpu.memory_space<semaphore_mem>>
        %dma_start3A_87 = arith.constant 0 : i32
        %dma_start3A_88 = tpu.memref_slice %arg29[%add3A_77, %dma_start3A_87] : memref<10000x128xf32, #tpu.memory_space<vmem_shared>> -> memref<80x128xf32, #tpu.memory_space<vmem_shared>>
        %dma_start3A_89 = arith.constant 0 : i32
        %dma_start3A_90 = tpu.memref_slice %arg29[%add3A_77, %dma_start3A_89] : memref<10000x128xf32, #tpu.memory_space<vmem_shared>> -> memref<80x128xf32, #tpu.memory_space<vmem_shared>>
        tpu.enqueue_dma source(%arg19 : memref<80x128xf32, #tpu.memory_space<vmem>>) target(%dma_start3A_90 : memref<80x128xf32, #tpu.memory_space<vmem_shared>>) target_semaphore(%run_scoped3A_86 : memref<!tpu.dma_semaphore, #tpu.memory_space<semaphore_mem>>)
        %dma_wait3A_91 = arith.constant 0 : i32
        %dma_wait3A_92 = tpu.memref_slice %arg29[%add3A_77, %dma_wait3A_91] : memref<10000x128xf32, #tpu.memory_space<vmem_shared>> -> memref<80x128xf32, #tpu.memory_space<vmem_shared>>
        %dma_wait3A_93 = arith.constant 0 : i32
        %dma_wait3A_94 = tpu.memref_slice %arg29[%add3A_77, %dma_wait3A_93] : memref<10000x128xf32, #tpu.memory_space<vmem_shared>> -> memref<80x128xf32, #tpu.memory_space<vmem_shared>>
        tpu.wait_dma2 semaphore(%run_scoped3A_86 : memref<!tpu.dma_semaphore, #tpu.memory_space<semaphore_mem>>) src(%arg19 : memref<80x128xf32, #tpu.memory_space<vmem>>) dst(%dma_wait3A_94 : memref<80x128xf32, #tpu.memory_space<vmem_shared>>)
        tpu.yield
      }) : () -> ()
      %add3A_78 = arith.constant 320 : i32
      %add3A_79 = arith.addi %mul3A_25, %add3A_78 : i32
      "tpu.region"() ({
        %run_scoped3A_86 = tpu.sem_alloc : memref<!tpu.dma_semaphore, #tpu.memory_space<semaphore_mem>>
        %dma_start3A_87 = arith.constant 0 : i32
        %dma_start3A_88 = tpu.memref_slice %arg29[%add3A_79, %dma_start3A_87] : memref<10000x128xf32, #tpu.memory_space<vmem_shared>> -> memref<80x128xf32, #tpu.memory_space<vmem_shared>>
        %dma_start3A_89 = arith.constant 0 : i32
        %dma_start3A_90 = tpu.memref_slice %arg29[%add3A_79, %dma_start3A_89] : memref<10000x128xf32, #tpu.memory_space<vmem_shared>> -> memref<80x128xf32, #tpu.memory_space<vmem_shared>>
        tpu.enqueue_dma source(%arg19 : memref<80x128xf32, #tpu.memory_space<vmem>>) target(%dma_start3A_90 : memref<80x128xf32, #tpu.memory_space<vmem_shared>>) target_semaphore(%run_scoped3A_86 : memref<!tpu.dma_semaphore, #tpu.memory_space<semaphore_mem>>)
        %dma_wait3A_91 = arith.constant 0 : i32
        %dma_wait3A_92 = tpu.memref_slice %arg29[%add3A_79, %dma_wait3A_91] : memref<10000x128xf32, #tpu.memory_space<vmem_shared>> -> memref<80x128xf32, #tpu.memory_space<vmem_shared>>
        %dma_wait3A_93 = arith.constant 0 : i32
        %dma_wait3A_94 = tpu.memref_slice %arg29[%add3A_79, %dma_wait3A_93] : memref<10000x128xf32, #tpu.memory_space<vmem_shared>> -> memref<80x128xf32, #tpu.memory_space<vmem_shared>>
        tpu.wait_dma2 semaphore(%run_scoped3A_86 : memref<!tpu.dma_semaphore, #tpu.memory_space<semaphore_mem>>) src(%arg19 : memref<80x128xf32, #tpu.memory_space<vmem>>) dst(%dma_wait3A_94 : memref<80x128xf32, #tpu.memory_space<vmem_shared>>)
        tpu.yield
      }) : () -> ()
      %add3A_80 = arith.constant 400 : i32
      %add3A_81 = arith.addi %mul3A_25, %add3A_80 : i32
      "tpu.region"() ({
        %run_scoped3A_86 = tpu.sem_alloc : memref<!tpu.dma_semaphore, #tpu.memory_space<semaphore_mem>>
        %dma_start3A_87 = arith.constant 0 : i32
        %dma_start3A_88 = tpu.memref_slice %arg29[%add3A_81, %dma_start3A_87] : memref<10000x128xf32, #tpu.memory_space<vmem_shared>> -> memref<80x128xf32, #tpu.memory_space<vmem_shared>>
        %dma_start3A_89 = arith.constant 0 : i32
        %dma_start3A_90 = tpu.memref_slice %arg29[%add3A_81, %dma_start3A_89] : memref<10000x128xf32, #tpu.memory_space<vmem_shared>> -> memref<80x128xf32, #tpu.memory_space<vmem_shared>>
        tpu.enqueue_dma source(%arg19 : memref<80x128xf32, #tpu.memory_space<vmem>>) target(%dma_start3A_90 : memref<80x128xf32, #tpu.memory_space<vmem_shared>>) target_semaphore(%run_scoped3A_86 : memref<!tpu.dma_semaphore, #tpu.memory_space<semaphore_mem>>)
        %dma_wait3A_91 = arith.constant 0 : i32
        %dma_wait3A_92 = tpu.memref_slice %arg29[%add3A_81, %dma_wait3A_91] : memref<10000x128xf32, #tpu.memory_space<vmem_shared>> -> memref<80x128xf32, #tpu.memory_space<vmem_shared>>
        %dma_wait3A_93 = arith.constant 0 : i32
        %dma_wait3A_94 = tpu.memref_slice %arg29[%add3A_81, %dma_wait3A_93] : memref<10000x128xf32, #tpu.memory_space<vmem_shared>> -> memref<80x128xf32, #tpu.memory_space<vmem_shared>>
        tpu.wait_dma2 semaphore(%run_scoped3A_86 : memref<!tpu.dma_semaphore, #tpu.memory_space<semaphore_mem>>) src(%arg19 : memref<80x128xf32, #tpu.memory_space<vmem>>) dst(%dma_wait3A_94 : memref<80x128xf32, #tpu.memory_space<vmem_shared>>)
        tpu.yield
      }) : () -> ()
      %add3A_82 = arith.constant 480 : i32
      %add3A_83 = arith.addi %mul3A_25, %add3A_82 : i32
      "tpu.region"() ({
        %run_scoped3A_86 = tpu.sem_alloc : memref<!tpu.dma_semaphore, #tpu.memory_space<semaphore_mem>>
        %dma_start3A_87 = arith.constant 0 : i32
        %dma_start3A_88 = tpu.memref_slice %arg29[%add3A_83, %dma_start3A_87] : memref<10000x128xf32, #tpu.memory_space<vmem_shared>> -> memref<80x128xf32, #tpu.memory_space<vmem_shared>>
        %dma_start3A_89 = arith.constant 0 : i32
        %dma_start3A_90 = tpu.memref_slice %arg29[%add3A_83, %dma_start3A_89] : memref<10000x128xf32, #tpu.memory_space<vmem_shared>> -> memref<80x128xf32, #tpu.memory_space<vmem_shared>>
        tpu.enqueue_dma source(%arg19 : memref<80x128xf32, #tpu.memory_space<vmem>>) target(%dma_start3A_90 : memref<80x128xf32, #tpu.memory_space<vmem_shared>>) target_semaphore(%run_scoped3A_86 : memref<!tpu.dma_semaphore, #tpu.memory_space<semaphore_mem>>)
        %dma_wait3A_91 = arith.constant 0 : i32
        %dma_wait3A_92 = tpu.memref_slice %arg29[%add3A_83, %dma_wait3A_91] : memref<10000x128xf32, #tpu.memory_space<vmem_shared>> -> memref<80x128xf32, #tpu.memory_space<vmem_shared>>
        %dma_wait3A_93 = arith.constant 0 : i32
        %dma_wait3A_94 = tpu.memref_slice %arg29[%add3A_83, %dma_wait3A_93] : memref<10000x128xf32, #tpu.memory_space<vmem_shared>> -> memref<80x128xf32, #tpu.memory_space<vmem_shared>>
        tpu.wait_dma2 semaphore(%run_scoped3A_86 : memref<!tpu.dma_semaphore, #tpu.memory_space<semaphore_mem>>) src(%arg19 : memref<80x128xf32, #tpu.memory_space<vmem>>) dst(%dma_wait3A_94 : memref<80x128xf32, #tpu.memory_space<vmem_shared>>)
        tpu.yield
      }) : () -> ()
      %add3A_84 = arith.constant 560 : i32
      %add3A_85 = arith.addi %mul3A_25, %add3A_84 : i32
      "tpu.region"() ({
        %run_scoped3A_86 = tpu.sem_alloc : memref<!tpu.dma_semaphore, #tpu.memory_space<semaphore_mem>>
        %dma_start3A_87 = arith.constant 0 : i32
        %dma_start3A_88 = tpu.memref_slice %arg29[%add3A_85, %dma_start3A_87] : memref<10000x128xf32, #tpu.memory_space<vmem_shared>> -> memref<80x128xf32, #tpu.memory_space<vmem_shared>>
        %dma_start3A_89 = arith.constant 0 : i32
        %dma_start3A_90 = tpu.memref_slice %arg29[%add3A_85, %dma_start3A_89] : memref<10000x128xf32, #tpu.memory_space<vmem_shared>> -> memref<80x128xf32, #tpu.memory_space<vmem_shared>>
        tpu.enqueue_dma source(%arg19 : memref<80x128xf32, #tpu.memory_space<vmem>>) target(%dma_start3A_90 : memref<80x128xf32, #tpu.memory_space<vmem_shared>>) target_semaphore(%run_scoped3A_86 : memref<!tpu.dma_semaphore, #tpu.memory_space<semaphore_mem>>)
        %dma_wait3A_91 = arith.constant 0 : i32
        %dma_wait3A_92 = tpu.memref_slice %arg29[%add3A_85, %dma_wait3A_91] : memref<10000x128xf32, #tpu.memory_space<vmem_shared>> -> memref<80x128xf32, #tpu.memory_space<vmem_shared>>
        %dma_wait3A_93 = arith.constant 0 : i32
        %dma_wait3A_94 = tpu.memref_slice %arg29[%add3A_85, %dma_wait3A_93] : memref<10000x128xf32, #tpu.memory_space<vmem_shared>> -> memref<80x128xf32, #tpu.memory_space<vmem_shared>>
        tpu.wait_dma2 semaphore(%run_scoped3A_86 : memref<!tpu.dma_semaphore, #tpu.memory_space<semaphore_mem>>) src(%arg19 : memref<80x128xf32, #tpu.memory_space<vmem>>) dst(%dma_wait3A_94 : memref<80x128xf32, #tpu.memory_space<vmem_shared>>)
        tpu.yield
      }) : () -> ()
    } else {
    }
    %eq3A = arith.constant 15 : i32
    %eq3A_28 = arith.cmpi eq, %arg1, %eq3A : i32
    %convert_element_type3A_29 = arith.extui %eq3A_28 : i1 to i32
    %cond3A_30 = arith.constant 0 : i32
    %cond3A_31 = arith.cmpi ne, %convert_element_type3A_29, %cond3A_30 : i32
    scf.if %cond3A_31 {
      %add3A_70 = arith.constant 0 : i32
      %add3A_71 = arith.addi %mul3A_25, %add3A_70 : i32
      "tpu.region"() ({
        %run_scoped3A_80 = tpu.sem_alloc : memref<!tpu.dma_semaphore, #tpu.memory_space<semaphore_mem>>
        %dma_start3A_81 = arith.constant 0 : i32
        %dma_start3A_82 = tpu.memref_slice %arg29[%add3A_71, %dma_start3A_81] : memref<10000x128xf32, #tpu.memory_space<vmem_shared>> -> memref<80x128xf32, #tpu.memory_space<vmem_shared>>
        %dma_start3A_83 = arith.constant 0 : i32
        %dma_start3A_84 = tpu.memref_slice %arg29[%add3A_71, %dma_start3A_83] : memref<10000x128xf32, #tpu.memory_space<vmem_shared>> -> memref<80x128xf32, #tpu.memory_space<vmem_shared>>
        tpu.enqueue_dma source(%arg19 : memref<80x128xf32, #tpu.memory_space<vmem>>) target(%dma_start3A_84 : memref<80x128xf32, #tpu.memory_space<vmem_shared>>) target_semaphore(%run_scoped3A_80 : memref<!tpu.dma_semaphore, #tpu.memory_space<semaphore_mem>>)
        %dma_wait3A_85 = arith.constant 0 : i32
        %dma_wait3A_86 = tpu.memref_slice %arg29[%add3A_71, %dma_wait3A_85] : memref<10000x128xf32, #tpu.memory_space<vmem_shared>> -> memref<80x128xf32, #tpu.memory_space<vmem_shared>>
        %dma_wait3A_87 = arith.constant 0 : i32
        %dma_wait3A_88 = tpu.memref_slice %arg29[%add3A_71, %dma_wait3A_87] : memref<10000x128xf32, #tpu.memory_space<vmem_shared>> -> memref<80x128xf32, #tpu.memory_space<vmem_shared>>
        tpu.wait_dma2 semaphore(%run_scoped3A_80 : memref<!tpu.dma_semaphore, #tpu.memory_space<semaphore_mem>>) src(%arg19 : memref<80x128xf32, #tpu.memory_space<vmem>>) dst(%dma_wait3A_88 : memref<80x128xf32, #tpu.memory_space<vmem_shared>>)
        tpu.yield
      }) : () -> ()
      %add3A_72 = arith.constant 80 : i32
      %add3A_73 = arith.addi %mul3A_25, %add3A_72 : i32
      "tpu.region"() ({
        %run_scoped3A_80 = tpu.sem_alloc : memref<!tpu.dma_semaphore, #tpu.memory_space<semaphore_mem>>
        %dma_start3A_81 = arith.constant 0 : i32
        %dma_start3A_82 = tpu.memref_slice %arg29[%add3A_73, %dma_start3A_81] : memref<10000x128xf32, #tpu.memory_space<vmem_shared>> -> memref<80x128xf32, #tpu.memory_space<vmem_shared>>
        %dma_start3A_83 = arith.constant 0 : i32
        %dma_start3A_84 = tpu.memref_slice %arg29[%add3A_73, %dma_start3A_83] : memref<10000x128xf32, #tpu.memory_space<vmem_shared>> -> memref<80x128xf32, #tpu.memory_space<vmem_shared>>
        tpu.enqueue_dma source(%arg19 : memref<80x128xf32, #tpu.memory_space<vmem>>) target(%dma_start3A_84 : memref<80x128xf32, #tpu.memory_space<vmem_shared>>) target_semaphore(%run_scoped3A_80 : memref<!tpu.dma_semaphore, #tpu.memory_space<semaphore_mem>>)
        %dma_wait3A_85 = arith.constant 0 : i32
        %dma_wait3A_86 = tpu.memref_slice %arg29[%add3A_73, %dma_wait3A_85] : memref<10000x128xf32, #tpu.memory_space<vmem_shared>> -> memref<80x128xf32, #tpu.memory_space<vmem_shared>>
        %dma_wait3A_87 = arith.constant 0 : i32
        %dma_wait3A_88 = tpu.memref_slice %arg29[%add3A_73, %dma_wait3A_87] : memref<10000x128xf32, #tpu.memory_space<vmem_shared>> -> memref<80x128xf32, #tpu.memory_space<vmem_shared>>
        tpu.wait_dma2 semaphore(%run_scoped3A_80 : memref<!tpu.dma_semaphore, #tpu.memory_space<semaphore_mem>>) src(%arg19 : memref<80x128xf32, #tpu.memory_space<vmem>>) dst(%dma_wait3A_88 : memref<80x128xf32, #tpu.memory_space<vmem_shared>>)
        tpu.yield
      }) : () -> ()
      %add3A_74 = arith.constant 160 : i32
      %add3A_75 = arith.addi %mul3A_25, %add3A_74 : i32
      "tpu.region"() ({
        %run_scoped3A_80 = tpu.sem_alloc : memref<!tpu.dma_semaphore, #tpu.memory_space<semaphore_mem>>
        %dma_start3A_81 = arith.constant 0 : i32
        %dma_start3A_82 = tpu.memref_slice %arg29[%add3A_75, %dma_start3A_81] : memref<10000x128xf32, #tpu.memory_space<vmem_shared>> -> memref<80x128xf32, #tpu.memory_space<vmem_shared>>
        %dma_start3A_83 = arith.constant 0 : i32
        %dma_start3A_84 = tpu.memref_slice %arg29[%add3A_75, %dma_start3A_83] : memref<10000x128xf32, #tpu.memory_space<vmem_shared>> -> memref<80x128xf32, #tpu.memory_space<vmem_shared>>
        tpu.enqueue_dma source(%arg19 : memref<80x128xf32, #tpu.memory_space<vmem>>) target(%dma_start3A_84 : memref<80x128xf32, #tpu.memory_space<vmem_shared>>) target_semaphore(%run_scoped3A_80 : memref<!tpu.dma_semaphore, #tpu.memory_space<semaphore_mem>>)
        %dma_wait3A_85 = arith.constant 0 : i32
        %dma_wait3A_86 = tpu.memref_slice %arg29[%add3A_75, %dma_wait3A_85] : memref<10000x128xf32, #tpu.memory_space<vmem_shared>> -> memref<80x128xf32, #tpu.memory_space<vmem_shared>>
        %dma_wait3A_87 = arith.constant 0 : i32
        %dma_wait3A_88 = tpu.memref_slice %arg29[%add3A_75, %dma_wait3A_87] : memref<10000x128xf32, #tpu.memory_space<vmem_shared>> -> memref<80x128xf32, #tpu.memory_space<vmem_shared>>
        tpu.wait_dma2 semaphore(%run_scoped3A_80 : memref<!tpu.dma_semaphore, #tpu.memory_space<semaphore_mem>>) src(%arg19 : memref<80x128xf32, #tpu.memory_space<vmem>>) dst(%dma_wait3A_88 : memref<80x128xf32, #tpu.memory_space<vmem_shared>>)
        tpu.yield
      }) : () -> ()
      %add3A_76 = arith.constant 240 : i32
      %add3A_77 = arith.addi %mul3A_25, %add3A_76 : i32
      "tpu.region"() ({
        %run_scoped3A_80 = tpu.sem_alloc : memref<!tpu.dma_semaphore, #tpu.memory_space<semaphore_mem>>
        %dma_start3A_81 = arith.constant 0 : i32
        %dma_start3A_82 = tpu.memref_slice %arg29[%add3A_77, %dma_start3A_81] : memref<10000x128xf32, #tpu.memory_space<vmem_shared>> -> memref<80x128xf32, #tpu.memory_space<vmem_shared>>
        %dma_start3A_83 = arith.constant 0 : i32
        %dma_start3A_84 = tpu.memref_slice %arg29[%add3A_77, %dma_start3A_83] : memref<10000x128xf32, #tpu.memory_space<vmem_shared>> -> memref<80x128xf32, #tpu.memory_space<vmem_shared>>
        tpu.enqueue_dma source(%arg19 : memref<80x128xf32, #tpu.memory_space<vmem>>) target(%dma_start3A_84 : memref<80x128xf32, #tpu.memory_space<vmem_shared>>) target_semaphore(%run_scoped3A_80 : memref<!tpu.dma_semaphore, #tpu.memory_space<semaphore_mem>>)
        %dma_wait3A_85 = arith.constant 0 : i32
        %dma_wait3A_86 = tpu.memref_slice %arg29[%add3A_77, %dma_wait3A_85] : memref<10000x128xf32, #tpu.memory_space<vmem_shared>> -> memref<80x128xf32, #tpu.memory_space<vmem_shared>>
        %dma_wait3A_87 = arith.constant 0 : i32
        %dma_wait3A_88 = tpu.memref_slice %arg29[%add3A_77, %dma_wait3A_87] : memref<10000x128xf32, #tpu.memory_space<vmem_shared>> -> memref<80x128xf32, #tpu.memory_space<vmem_shared>>
        tpu.wait_dma2 semaphore(%run_scoped3A_80 : memref<!tpu.dma_semaphore, #tpu.memory_space<semaphore_mem>>) src(%arg19 : memref<80x128xf32, #tpu.memory_space<vmem>>) dst(%dma_wait3A_88 : memref<80x128xf32, #tpu.memory_space<vmem_shared>>)
        tpu.yield
      }) : () -> ()
      %add3A_78 = arith.constant 320 : i32
      %add3A_79 = arith.addi %mul3A_25, %add3A_78 : i32
      "tpu.region"() ({
        %run_scoped3A_80 = tpu.sem_alloc : memref<!tpu.dma_semaphore, #tpu.memory_space<semaphore_mem>>
        %dma_start3A_81 = arith.constant 0 : i32
        %dma_start3A_82 = tpu.memref_slice %arg29[%add3A_79, %dma_start3A_81] : memref<10000x128xf32, #tpu.memory_space<vmem_shared>> -> memref<80x128xf32, #tpu.memory_space<vmem_shared>>
        %dma_start3A_83 = arith.constant 0 : i32
        %dma_start3A_84 = tpu.memref_slice %arg29[%add3A_79, %dma_start3A_83] : memref<10000x128xf32, #tpu.memory_space<vmem_shared>> -> memref<80x128xf32, #tpu.memory_space<vmem_shared>>
        tpu.enqueue_dma source(%arg19 : memref<80x128xf32, #tpu.memory_space<vmem>>) target(%dma_start3A_84 : memref<80x128xf32, #tpu.memory_space<vmem_shared>>) target_semaphore(%run_scoped3A_80 : memref<!tpu.dma_semaphore, #tpu.memory_space<semaphore_mem>>)
        %dma_wait3A_85 = arith.constant 0 : i32
        %dma_wait3A_86 = tpu.memref_slice %arg29[%add3A_79, %dma_wait3A_85] : memref<10000x128xf32, #tpu.memory_space<vmem_shared>> -> memref<80x128xf32, #tpu.memory_space<vmem_shared>>
        %dma_wait3A_87 = arith.constant 0 : i32
        %dma_wait3A_88 = tpu.memref_slice %arg29[%add3A_79, %dma_wait3A_87] : memref<10000x128xf32, #tpu.memory_space<vmem_shared>> -> memref<80x128xf32, #tpu.memory_space<vmem_shared>>
        tpu.wait_dma2 semaphore(%run_scoped3A_80 : memref<!tpu.dma_semaphore, #tpu.memory_space<semaphore_mem>>) src(%arg19 : memref<80x128xf32, #tpu.memory_space<vmem>>) dst(%dma_wait3A_88 : memref<80x128xf32, #tpu.memory_space<vmem_shared>>)
        tpu.yield
      }) : () -> ()
    } else {
    }
    %barrier3A = arith.constant 0 : index
    tpu.barrier barrier_id(%barrier3A)
    %dma_start3A = arith.constant 0 : i32
    %dma_start3A_32 = arith.constant 0 : i32
    %dma_start3A_33 = tpu.memref_slice %arg29[%dma_start3A, %dma_start3A_32] : memref<10000x128xf32, #tpu.memory_space<vmem_shared>> -> memref<10000x128xf32, #tpu.memory_space<vmem_shared>>
    tpu.enqueue_indirect_dma source(%arg19 : memref<80x128xf32, #tpu.memory_space<vmem>>) target(%dma_start3A_33 : memref<10000x128xf32, #tpu.memory_space<vmem_shared>>) offsets(%arg17 : memref<80xi32, #tpu.memory_space<vmem>>) semaphore(%arg24 : memref<!tpu.dma_semaphore, #tpu.memory_space<semaphore_mem>>) {add = true}
    %dma_start3A_34 = arith.constant 0 : i32
    %dma_start3A_35 = tpu.memref_slice %arg28[%dma_start3A_34] : memref<10240xf32, #tpu.memory_space<vmem_shared>> -> memref<10240xf32, #tpu.memory_space<vmem_shared>>
    tpu.enqueue_indirect_dma source(%arg15 : memref<80xf32, #tpu.memory_space<vmem>>) target(%dma_start3A_35 : memref<10240xf32, #tpu.memory_space<vmem_shared>>) offsets(%arg17 : memref<80xi32, #tpu.memory_space<vmem>>) semaphore(%arg26 : memref<!tpu.dma_semaphore, #tpu.memory_space<semaphore_mem>>) {add = true}
    %dma_start3A_36 = arith.constant 0 : i32
    %dma_start3A_37 = arith.constant 0 : i32
    %dma_start3A_38 = tpu.memref_slice %arg29[%dma_start3A_36, %dma_start3A_37] : memref<10000x128xf32, #tpu.memory_space<vmem_shared>> -> memref<10000x128xf32, #tpu.memory_space<vmem_shared>>
    tpu.enqueue_indirect_dma source(%arg20 : memref<80x128xf32, #tpu.memory_space<vmem>>) target(%dma_start3A_38 : memref<10000x128xf32, #tpu.memory_space<vmem_shared>>) offsets(%arg18 : memref<80xi32, #tpu.memory_space<vmem>>) semaphore(%arg25 : memref<!tpu.dma_semaphore, #tpu.memory_space<semaphore_mem>>) {add = true}
    %dma_start3A_39 = arith.constant 0 : i32
    %dma_start3A_40 = tpu.memref_slice %arg28[%dma_start3A_39] : memref<10240xf32, #tpu.memory_space<vmem_shared>> -> memref<10240xf32, #tpu.memory_space<vmem_shared>>
    tpu.enqueue_indirect_dma source(%arg16 : memref<80xf32, #tpu.memory_space<vmem>>) target(%dma_start3A_40 : memref<10240xf32, #tpu.memory_space<vmem_shared>>) offsets(%arg18 : memref<80xi32, #tpu.memory_space<vmem>>) semaphore(%arg27 : memref<!tpu.dma_semaphore, #tpu.memory_space<semaphore_mem>>) {add = true}
    %mul3A_41 = arith.constant 16 : i32
    %mul3A_42 = arith.muli %arg0, %mul3A_41 : i32
    %add3A = arith.addi %mul3A_42, %arg1 : i32
    %mul3A_43 = arith.constant 10000 : i32
    %mul3A_44 = arith.muli %add3A, %mul3A_43 : i32
    %scan3A_45 = arith.constant 0 : i32
    %scan3A_46 = arith.constant 5 : i32
    %scan3A_47 = arith.addi %scan3A_45, %scan3A_46 : i32
    %scan3A_48 = arith.constant 1 : i32
    scf.for %scan3A_70 = %scan3A_45 to %scan3A_47 step %scan3A_48  : i32 {
      %mul3A_71 = arith.constant 2000 : i32
      %mul3A_72 = arith.muli %scan3A_70, %mul3A_71 : i32
      %add3A_73 = arith.constant 0 : i32
      %add3A_74 = arith.addi %add3A_73, %mul3A_72 : i32
      %add3A_75 = arith.addi %mul3A_44, %add3A_74 : i32
      %multiple_of3A = tpu.assume_multiple %add3A_75, 8 : i32
      "tpu.region"() ({
        %run_scoped3A_91 = tpu.sem_alloc : memref<!tpu.dma_semaphore, #tpu.memory_space<semaphore_mem>>
        %dma_start3A_92 = tpu.memref_slice %arg2[%multiple_of3A] : memref<320000xi32, #tpu.memory_space<hbm>> -> memref<2000xi32, #tpu.memory_space<hbm>>
        %dma_start3A_93 = tpu.memref_slice %arg2[%multiple_of3A] : memref<320000xi32, #tpu.memory_space<hbm>> -> memref<2000xi32, #tpu.memory_space<hbm>>
        tpu.enqueue_dma source(%dma_start3A_93 : memref<2000xi32, #tpu.memory_space<hbm>>) target(%arg10 : memref<2000xi32, #tpu.memory_space<vmem>>) target_semaphore(%run_scoped3A_91 : memref<!tpu.dma_semaphore, #tpu.memory_space<semaphore_mem>>)
        %dma_wait3A_94 = tpu.memref_slice %arg2[%multiple_of3A] : memref<320000xi32, #tpu.memory_space<hbm>> -> memref<2000xi32, #tpu.memory_space<hbm>>
        %dma_wait3A_95 = tpu.memref_slice %arg2[%multiple_of3A] : memref<320000xi32, #tpu.memory_space<hbm>> -> memref<2000xi32, #tpu.memory_space<hbm>>
        tpu.wait_dma2 semaphore(%run_scoped3A_91 : memref<!tpu.dma_semaphore, #tpu.memory_space<semaphore_mem>>) src(%dma_wait3A_95 : memref<2000xi32, #tpu.memory_space<hbm>>) dst(%arg10 : memref<2000xi32, #tpu.memory_space<vmem>>)
        tpu.yield
      }) : () -> ()
      "tpu.region"() ({
        %run_scoped3A_91 = tpu.sem_alloc : memref<!tpu.dma_semaphore, #tpu.memory_space<semaphore_mem>>
        %dma_start3A_92 = tpu.memref_slice %arg3[%multiple_of3A] : memref<320000xi32, #tpu.memory_space<hbm>> -> memref<2000xi32, #tpu.memory_space<hbm>>
        %dma_start3A_93 = tpu.memref_slice %arg3[%multiple_of3A] : memref<320000xi32, #tpu.memory_space<hbm>> -> memref<2000xi32, #tpu.memory_space<hbm>>
        tpu.enqueue_dma source(%dma_start3A_93 : memref<2000xi32, #tpu.memory_space<hbm>>) target(%arg11 : memref<2000xi32, #tpu.memory_space<vmem>>) target_semaphore(%run_scoped3A_91 : memref<!tpu.dma_semaphore, #tpu.memory_space<semaphore_mem>>)
        %dma_wait3A_94 = tpu.memref_slice %arg3[%multiple_of3A] : memref<320000xi32, #tpu.memory_space<hbm>> -> memref<2000xi32, #tpu.memory_space<hbm>>
        %dma_wait3A_95 = tpu.memref_slice %arg3[%multiple_of3A] : memref<320000xi32, #tpu.memory_space<hbm>> -> memref<2000xi32, #tpu.memory_space<hbm>>
        tpu.wait_dma2 semaphore(%run_scoped3A_91 : memref<!tpu.dma_semaphore, #tpu.memory_space<semaphore_mem>>) src(%dma_wait3A_95 : memref<2000xi32, #tpu.memory_space<hbm>>) dst(%arg11 : memref<2000xi32, #tpu.memory_space<vmem>>)
        tpu.yield
      }) : () -> ()
      %dma_wait3A_76 = arith.constant 0 : i32
      %dma_wait3A_77 = arith.constant 0 : i32
      %dma_wait3A_78 = tpu.memref_slice %arg29[%dma_wait3A_76, %dma_wait3A_77] : memref<10000x128xf32, #tpu.memory_space<vmem_shared>> -> memref<10000x128xf32, #tpu.memory_space<vmem_shared>>
      tpu.wait_indirect_dma semaphore(%arg24 : memref<!tpu.dma_semaphore, #tpu.memory_space<semaphore_mem>>) src(%arg19 : memref<80x128xf32, #tpu.memory_space<vmem>>) dst(%dma_wait3A_78 : memref<10000x128xf32, #tpu.memory_space<vmem_shared>>)
      %dma_wait3A_79 = arith.constant 0 : i32
      %dma_wait3A_80 = tpu.memref_slice %arg28[%dma_wait3A_79] : memref<10240xf32, #tpu.memory_space<vmem_shared>> -> memref<10240xf32, #tpu.memory_space<vmem_shared>>
      tpu.wait_indirect_dma semaphore(%arg26 : memref<!tpu.dma_semaphore, #tpu.memory_space<semaphore_mem>>) src(%arg15 : memref<80xf32, #tpu.memory_space<vmem>>) dst(%dma_wait3A_80 : memref<10240xf32, #tpu.memory_space<vmem_shared>>)
      %dma_start3A_81 = arith.constant 0 : i32
      %dma_start3A_82 = tpu.memref_slice %arg10[%dma_start3A_81] : memref<2000xi32, #tpu.memory_space<vmem>> -> memref<80xi32, #tpu.memory_space<vmem>>
      %dma_start3A_83 = arith.constant 0 : i32
      %dma_start3A_84 = arith.constant 0 : i32
      %dma_start3A_85 = tpu.memref_slice %arg7[%dma_start3A_83, %dma_start3A_84] : memref<10000x128xf32, #tpu.memory_space<hbm>> -> memref<10000x128xf32, #tpu.memory_space<hbm>>
      tpu.enqueue_indirect_dma source(%dma_start3A_85 : memref<10000x128xf32, #tpu.memory_space<hbm>>) target(%arg19 : memref<80x128xf32, #tpu.memory_space<vmem>>) offsets(%dma_start3A_82 : memref<80xi32, #tpu.memory_space<vmem>>) semaphore(%arg22 : memref<!tpu.dma_semaphore, #tpu.memory_space<semaphore_mem>>)
      %scan3A_86 = arith.constant 0 : i32
      %scan3A_87 = arith.constant 13 : i32
      %scan3A_88 = arith.addi %scan3A_86, %scan3A_87 : i32
      %scan3A_89 = arith.constant 1 : i32
      scf.for %scan3A_91 = %scan3A_86 to %scan3A_88 step %scan3A_89  : i32 {
        %mul3A_92 = arith.constant 2 : i32
        %mul3A_93 = arith.muli %scan3A_91, %mul3A_92 : i32
        %add3A_94 = arith.constant 0 : i32
        %add3A_95 = arith.addi %add3A_94, %mul3A_93 : i32
        %mul3A_96 = arith.constant 80 : i32
        %mul3A_97 = arith.muli %add3A_95, %mul3A_96 : i32
        %multiple_of3A_98 = tpu.assume_multiple %mul3A_97, 8 : i32
        %add3A_99 = arith.constant 80 : i32
        %add3A_100 = arith.addi %multiple_of3A_98, %add3A_99 : i32
        %lt3A_101 = arith.constant 2000 : i32
        %lt3A_102 = arith.cmpi slt, %add3A_100, %lt3A_101 : i32
        %convert_element_type3A_103 = arith.extui %lt3A_102 : i1 to i32
        %cond3A_104 = arith.constant 0 : i32
        %cond3A_105 = arith.cmpi ne, %convert_element_type3A_103, %cond3A_104 : i32
        scf.if %cond3A_105 {
          %dma_wait3A_247 = arith.constant 0 : i32
          %dma_wait3A_248 = arith.constant 0 : i32
          %dma_wait3A_249 = tpu.memref_slice %arg29[%dma_wait3A_247, %dma_wait3A_248] : memref<10000x128xf32, #tpu.memory_space<vmem_shared>> -> memref<10000x128xf32, #tpu.memory_space<vmem_shared>>
          tpu.wait_indirect_dma semaphore(%arg25 : memref<!tpu.dma_semaphore, #tpu.memory_space<semaphore_mem>>) src(%arg20 : memref<80x128xf32, #tpu.memory_space<vmem>>) dst(%dma_wait3A_249 : memref<10000x128xf32, #tpu.memory_space<vmem_shared>>)
          %dma_wait3A_250 = arith.constant 0 : i32
          %dma_wait3A_251 = tpu.memref_slice %arg28[%dma_wait3A_250] : memref<10240xf32, #tpu.memory_space<vmem_shared>> -> memref<10240xf32, #tpu.memory_space<vmem_shared>>
          tpu.wait_indirect_dma semaphore(%arg27 : memref<!tpu.dma_semaphore, #tpu.memory_space<semaphore_mem>>) src(%arg16 : memref<80xf32, #tpu.memory_space<vmem>>) dst(%dma_wait3A_251 : memref<10240xf32, #tpu.memory_space<vmem_shared>>)
          %dma_start3A_252 = tpu.memref_slice %arg10[%add3A_100] : memref<2000xi32, #tpu.memory_space<vmem>> -> memref<80xi32, #tpu.memory_space<vmem>>
          %dma_start3A_253 = arith.constant 0 : i32
          %dma_start3A_254 = arith.constant 0 : i32
          %dma_start3A_255 = tpu.memref_slice %arg7[%dma_start3A_253, %dma_start3A_254] : memref<10000x128xf32, #tpu.memory_space<hbm>> -> memref<10000x128xf32, #tpu.memory_space<hbm>>
          tpu.enqueue_indirect_dma source(%dma_start3A_255 : memref<10000x128xf32, #tpu.memory_space<hbm>>) target(%arg20 : memref<80x128xf32, #tpu.memory_space<vmem>>) offsets(%dma_start3A_252 : memref<80xi32, #tpu.memory_space<vmem>>) semaphore(%arg23 : memref<!tpu.dma_semaphore, #tpu.memory_space<semaphore_mem>>)
        } else {
        }
        %add3A_106 = arith.constant 0 : i32
        %add3A_107 = arith.addi %multiple_of3A_98, %add3A_106 : i32
        %get3A_108 = arith.index_cast %add3A_107 : i32 to index
        %get3A_109 = tpu.vector_load %arg10[%get3A_108] {strides = array<i32>} : memref<2000xi32, #tpu.memory_space<vmem>>, vector<16xi32>,
        %add3A_110 = arith.constant 16 : i32
        %add3A_111 = arith.addi %multiple_of3A_98, %add3A_110 : i32
        %get3A_112 = arith.index_cast %add3A_111 : i32 to index
        %get3A_113 = tpu.vector_load %arg10[%get3A_112] {strides = array<i32>} : memref<2000xi32, #tpu.memory_space<vmem>>, vector<16xi32>,
        %add3A_114 = arith.constant 32 : i32
        %add3A_115 = arith.addi %multiple_of3A_98, %add3A_114 : i32
        %get3A_116 = arith.index_cast %add3A_115 : i32 to index
        %get3A_117 = tpu.vector_load %arg10[%get3A_116] {strides = array<i32>} : memref<2000xi32, #tpu.memory_space<vmem>>, vector<16xi32>,
        %add3A_118 = arith.constant 48 : i32
        %add3A_119 = arith.addi %multiple_of3A_98, %add3A_118 : i32
        %get3A_120 = arith.index_cast %add3A_119 : i32 to index
        %get3A_121 = tpu.vector_load %arg10[%get3A_120] {strides = array<i32>} : memref<2000xi32, #tpu.memory_space<vmem>>, vector<16xi32>,
        %add3A_122 = arith.constant 64 : i32
        %add3A_123 = arith.addi %multiple_of3A_98, %add3A_122 : i32
        %get3A_124 = arith.index_cast %add3A_123 : i32 to index
        %get3A_125 = tpu.vector_load %arg10[%get3A_124] {strides = array<i32>} : memref<2000xi32, #tpu.memory_space<vmem>>, vector<16xi32>,
        %add3A_126 = arith.constant 0 : i32
        %add3A_127 = arith.addi %multiple_of3A_98, %add3A_126 : i32
        %get3A_128 = arith.index_cast %add3A_127 : i32 to index
        %get3A_129 = tpu.vector_load %arg11[%get3A_128] {strides = array<i32>} : memref<2000xi32, #tpu.memory_space<vmem>>, vector<16xi32>,
        %add3A_130 = arith.constant 16 : i32
        %add3A_131 = arith.addi %multiple_of3A_98, %add3A_130 : i32
        %get3A_132 = arith.index_cast %add3A_131 : i32 to index
        %get3A_133 = tpu.vector_load %arg11[%get3A_132] {strides = array<i32>} : memref<2000xi32, #tpu.memory_space<vmem>>, vector<16xi32>,
        %add3A_134 = arith.constant 32 : i32
        %add3A_135 = arith.addi %multiple_of3A_98, %add3A_134 : i32
        %get3A_136 = arith.index_cast %add3A_135 : i32 to index
        %get3A_137 = tpu.vector_load %arg11[%get3A_136] {strides = array<i32>} : memref<2000xi32, #tpu.memory_space<vmem>>, vector<16xi32>,
        %add3A_138 = arith.constant 48 : i32
        %add3A_139 = arith.addi %multiple_of3A_98, %add3A_138 : i32
        %get3A_140 = arith.index_cast %add3A_139 : i32 to index
        %get3A_141 = tpu.vector_load %arg11[%get3A_140] {strides = array<i32>} : memref<2000xi32, #tpu.memory_space<vmem>>, vector<16xi32>,
        %add3A_142 = arith.constant 64 : i32
        %add3A_143 = arith.addi %multiple_of3A_98, %add3A_142 : i32
        %get3A_144 = arith.index_cast %add3A_143 : i32 to index
        %get3A_145 = tpu.vector_load %arg11[%get3A_144] {strides = array<i32>} : memref<2000xi32, #tpu.memory_space<vmem>>, vector<16xi32>,
        %gather3A = tpu.vector_load_idx %arg12[%get3A_109] : memref<10000xf32, #tpu.memory_space<vmem>>[vector<16xi32>], vector<16xf32>,
        %gather3A_146 = tpu.vector_load_idx %arg12[%get3A_113] : memref<10000xf32, #tpu.memory_space<vmem>>[vector<16xi32>], vector<16xf32>,
        %gather3A_147 = tpu.vector_load_idx %arg12[%get3A_117] : memref<10000xf32, #tpu.memory_space<vmem>>[vector<16xi32>], vector<16xf32>,
        %gather3A_148 = tpu.vector_load_idx %arg12[%get3A_121] : memref<10000xf32, #tpu.memory_space<vmem>>[vector<16xi32>], vector<16xf32>,
        %gather3A_149 = tpu.vector_load_idx %arg12[%get3A_125] : memref<10000xf32, #tpu.memory_space<vmem>>[vector<16xi32>], vector<16xf32>,
        %gather3A_150 = tpu.vector_load_idx %arg13[%get3A_129] : memref<10000xf32, #tpu.memory_space<vmem>>[vector<16xi32>], vector<16xf32>,
        %gather3A_151 = tpu.vector_load_idx %arg13[%get3A_133] : memref<10000xf32, #tpu.memory_space<vmem>>[vector<16xi32>], vector<16xf32>,
        %gather3A_152 = tpu.vector_load_idx %arg13[%get3A_137] : memref<10000xf32, #tpu.memory_space<vmem>>[vector<16xi32>], vector<16xf32>,
        %gather3A_153 = tpu.vector_load_idx %arg13[%get3A_141] : memref<10000xf32, #tpu.memory_space<vmem>>[vector<16xi32>], vector<16xf32>,
        %gather3A_154 = tpu.vector_load_idx %arg13[%get3A_145] : memref<10000xf32, #tpu.memory_space<vmem>>[vector<16xi32>], vector<16xf32>,
        %add3A_155 = arith.addf %get3A_0, %gather3A_150 : vector<16xf32>
        %mul3A_156 = arith.constant 2.000000e-01 : f32
        %mul3A_157 = vector.broadcast %mul3A_156 : f32 to vector<16xf32>
        %mul3A_158 = arith.mulf %mul3A_157, %add3A_155 : vector<16xf32>
        %max3A = arith.maximumf %add3A_155, %mul3A_158 : vector<16xf32>
        %add3A_159 = arith.addf %gather3A, %gather3A_150 : vector<16xf32>
        %mul3A_160 = arith.constant 2.000000e-01 : f32
        %mul3A_161 = vector.broadcast %mul3A_160 : f32 to vector<16xf32>
        %mul3A_162 = arith.mulf %mul3A_161, %add3A_159 : vector<16xf32>
        %max3A_163 = arith.maximumf %add3A_159, %mul3A_162 : vector<16xf32>
        %sub3A = arith.subf %max3A_163, %max3A : vector<16xf32>
        %exp3A = math.exp %sub3A : vector<16xf32>
        %swap3A = arith.constant 0 : index
        %swap3A_164 = tpu.vector_load %arg15[%swap3A] {strides = array<i32>} : memref<80xf32, #tpu.memory_space<vmem>>, vector<16xf32>,
        tpu.vector_store %arg15[%swap3A], %exp3A {strides = array<i32>} : memref<80xf32, #tpu.memory_space<vmem>>, vector<16xf32>,
        %swap3A_165 = arith.constant 0 : index
        %swap3A_166 = tpu.vector_load %arg17[%swap3A_165] {strides = array<i32>} : memref<80xi32, #tpu.memory_space<vmem>>, vector<16xi32>,
        tpu.vector_store %arg17[%swap3A_165], %get3A_129 {strides = array<i32>} : memref<80xi32, #tpu.memory_space<vmem>>, vector<16xi32>,
        %add3A_167 = arith.addf %get3A_0, %gather3A_151 : vector<16xf32>
        %mul3A_168 = arith.constant 2.000000e-01 : f32
        %mul3A_169 = vector.broadcast %mul3A_168 : f32 to vector<16xf32>
        %mul3A_170 = arith.mulf %mul3A_169, %add3A_167 : vector<16xf32>
        %max3A_171 = arith.maximumf %add3A_167, %mul3A_170 : vector<16xf32>
        %add3A_172 = arith.addf %gather3A_146, %gather3A_151 : vector<16xf32>
        %mul3A_173 = arith.constant 2.000000e-01 : f32
        %mul3A_174 = vector.broadcast %mul3A_173 : f32 to vector<16xf32>
        %mul3A_175 = arith.mulf %mul3A_174, %add3A_172 : vector<16xf32>
        %max3A_176 = arith.maximumf %add3A_172, %mul3A_175 : vector<16xf32>
        %sub3A_177 = arith.subf %max3A_176, %max3A_171 : vector<16xf32>
        %exp3A_178 = math.exp %sub3A_177 : vector<16xf32>
        %swap3A_179 = arith.constant 16 : index
        %swap3A_180 = tpu.vector_load %arg15[%swap3A_179] {strides = array<i32>} : memref<80xf32, #tpu.memory_space<vmem>>, vector<16xf32>,
        tpu.vector_store %arg15[%swap3A_179], %exp3A_178 {strides = array<i32>} : memref<80xf32, #tpu.memory_space<vmem>>, vector<16xf32>,
        %swap3A_181 = arith.constant 16 : index
        %swap3A_182 = tpu.vector_load %arg17[%swap3A_181] {strides = array<i32>} : memref<80xi32, #tpu.memory_space<vmem>>, vector<16xi32>,
        tpu.vector_store %arg17[%swap3A_181], %get3A_133 {strides = array<i32>} : memref<80xi32, #tpu.memory_space<vmem>>, vector<16xi32>,
        %add3A_183 = arith.addf %get3A_0, %gather3A_152 : vector<16xf32>
        %mul3A_184 = arith.constant 2.000000e-01 : f32
        %mul3A_185 = vector.broadcast %mul3A_184 : f32 to vector<16xf32>
        %mul3A_186 = arith.mulf %mul3A_185, %add3A_183 : vector<16xf32>
        %max3A_187 = arith.maximumf %add3A_183, %mul3A_186 : vector<16xf32>
        %add3A_188 = arith.addf %gather3A_147, %gather3A_152 : vector<16xf32>
        %mul3A_189 = arith.constant 2.000000e-01 : f32
        %mul3A_190 = vector.broadcast %mul3A_189 : f32 to vector<16xf32>
        %mul3A_191 = arith.mulf %mul3A_190, %add3A_188 : vector<16xf32>
        %max3A_192 = arith.maximumf %add3A_188, %mul3A_191 : vector<16xf32>
        %sub3A_193 = arith.subf %max3A_192, %max3A_187 : vector<16xf32>
        %exp3A_194 = math.exp %sub3A_193 : vector<16xf32>
        %swap3A_195 = arith.constant 32 : index
        %swap3A_196 = tpu.vector_load %arg15[%swap3A_195] {strides = array<i32>} : memref<80xf32, #tpu.memory_space<vmem>>, vector<16xf32>,
        tpu.vector_store %arg15[%swap3A_195], %exp3A_194 {strides = array<i32>} : memref<80xf32, #tpu.memory_space<vmem>>, vector<16xf32>,
        %swap3A_197 = arith.constant 32 : index
        %swap3A_198 = tpu.vector_load %arg17[%swap3A_197] {strides = array<i32>} : memref<80xi32, #tpu.memory_space<vmem>>, vector<16xi32>,
        tpu.vector_store %arg17[%swap3A_197], %get3A_137 {strides = array<i32>} : memref<80xi32, #tpu.memory_space<vmem>>, vector<16xi32>,
        %add3A_199 = arith.addf %get3A_0, %gather3A_153 : vector<16xf32>
        %mul3A_200 = arith.constant 2.000000e-01 : f32
        %mul3A_201 = vector.broadcast %mul3A_200 : f32 to vector<16xf32>
        %mul3A_202 = arith.mulf %mul3A_201, %add3A_199 : vector<16xf32>
        %max3A_203 = arith.maximumf %add3A_199, %mul3A_202 : vector<16xf32>
        %add3A_204 = arith.addf %gather3A_148, %gather3A_153 : vector<16xf32>
        %mul3A_205 = arith.constant 2.000000e-01 : f32
        %mul3A_206 = vector.broadcast %mul3A_205 : f32 to vector<16xf32>
        %mul3A_207 = arith.mulf %mul3A_206, %add3A_204 : vector<16xf32>
        %max3A_208 = arith.maximumf %add3A_204, %mul3A_207 : vector<16xf32>
        %sub3A_209 = arith.subf %max3A_208, %max3A_203 : vector<16xf32>
        %exp3A_210 = math.exp %sub3A_209 : vector<16xf32>
        %swap3A_211 = arith.constant 48 : index
        %swap3A_212 = tpu.vector_load %arg15[%swap3A_211] {strides = array<i32>} : memref<80xf32, #tpu.memory_space<vmem>>, vector<16xf32>,
        tpu.vector_store %arg15[%swap3A_211], %exp3A_210 {strides = array<i32>} : memref<80xf32, #tpu.memory_space<vmem>>, vector<16xf32>,
        %swap3A_213 = arith.constant 48 : index
        %swap3A_214 = tpu.vector_load %arg17[%swap3A_213] {strides = array<i32>} : memref<80xi32, #tpu.memory_space<vmem>>, vector<16xi32>,
        tpu.vector_store %arg17[%swap3A_213], %get3A_141 {strides = array<i32>} : memref<80xi32, #tpu.memory_space<vmem>>, vector<16xi32>,
        %add3A_215 = arith.addf %get3A_0, %gather3A_154 : vector<16xf32>
        %mul3A_216 = arith.constant 2.000000e-01 : f32
        %mul3A_217 = vector.broadcast %mul3A_216 : f32 to vector<16xf32>
        %mul3A_218 = arith.mulf %mul3A_217, %add3A_215 : vector<16xf32>
        %max3A_219 = arith.maximumf %add3A_215, %mul3A_218 : vector<16xf32>
        %add3A_220 = arith.addf %gather3A_149, %gather3A_154 : vector<16xf32>
        %mul3A_221 = arith.constant 2.000000e-01 : f32
        %mul3A_222 = vector.broadcast %mul3A_221 : f32 to vector<16xf32>
        %mul3A_223 = arith.mulf %mul3A_222, %add3A_220 : vector<16xf32>
        %max3A_224 = arith.maximumf %add3A_220, %mul3A_223 : vector<16xf32>
        %sub3A_225 = arith.subf %max3A_224, %max3A_219 : vector<16xf32>
        %exp3A_226 = math.exp %sub3A_225 : vector<16xf32>
        %swap3A_227 = arith.constant 64 : index
        %swap3A_228 = tpu.vector_load %arg15[%swap3A_227] {strides = array<i32>} : memref<80xf32, #tpu.memory_space<vmem>>, vector<16xf32>,
        tpu.vector_store %arg15[%swap3A_227], %exp3A_226 {strides = array<i32>} : memref<80xf32, #tpu.memory_space<vmem>>, vector<16xf32>,
        %swap3A_229 = arith.constant 64 : index
        %swap3A_230 = tpu.vector_load %arg17[%swap3A_229] {strides = array<i32>} : memref<80xi32, #tpu.memory_space<vmem>>, vector<16xi32>,
        tpu.vector_store %arg17[%swap3A_229], %get3A_145 {strides = array<i32>} : memref<80xi32, #tpu.memory_space<vmem>>, vector<16xi32>,
        %dma_wait3A_231 = tpu.memref_slice %arg10[%multiple_of3A_98] : memref<2000xi32, #tpu.memory_space<vmem>> -> memref<80xi32, #tpu.memory_space<vmem>>
        %dma_wait3A_232 = arith.constant 0 : i32
        %dma_wait3A_233 = arith.constant 0 : i32
        %dma_wait3A_234 = tpu.memref_slice %arg7[%dma_wait3A_232, %dma_wait3A_233] : memref<10000x128xf32, #tpu.memory_space<hbm>> -> memref<10000x128xf32, #tpu.memory_space<hbm>>
        tpu.wait_indirect_dma semaphore(%arg22 : memref<!tpu.dma_semaphore, #tpu.memory_space<semaphore_mem>>) src(%dma_wait3A_234 : memref<10000x128xf32, #tpu.memory_space<hbm>>) dst(%arg19 : memref<80x128xf32, #tpu.memory_space<vmem>>)
        %parallel_loop3A = arith.constant 0 : i32
        %parallel_loop3A_235 = arith.constant 80 : i32
        %parallel_loop3A_236 = arith.constant 1 : i32
        scf.for %parallel_loop3A_247 = %parallel_loop3A to %parallel_loop3A_235 step %parallel_loop3A_236  : i32 {
          %parallel_loop3A_248 = vector.broadcast %parallel_loop3A_247 : i32 to vector<16xi32>
          %parallel_loop3A_249 = tpu.vector_load_idx %arg15[%parallel_loop3A_248] : memref<80xf32, #tpu.memory_space<vmem>>[vector<16xi32>], vector<16xf32>,
          %parallel_loop3A_250 = arith.index_cast %parallel_loop3A_247 : i32 to index
          %parallel_loop3A_251 = arith.constant 0 : index
          %parallel_loop3A_252 = tpu.vector_load %arg19[%parallel_loop3A_250, %parallel_loop3A_251] {strides = array<i32>} : memref<80x128xf32, #tpu.memory_space<vmem>>, vector<16xf32>,
          %parallel_loop3A_253 = arith.mulf %parallel_loop3A_252, %parallel_loop3A_249 : vector<16xf32>
          %parallel_loop3A_254 = arith.index_cast %parallel_loop3A_247 : i32 to index
          %parallel_loop3A_255 = arith.constant 0 : index
          %parallel_loop3A_256 = tpu.vector_load %arg19[%parallel_loop3A_254, %parallel_loop3A_255] {strides = array<i32>} : memref<80x128xf32, #tpu.memory_space<vmem>>, vector<16xf32>,
          tpu.vector_store %arg19[%parallel_loop3A_254, %parallel_loop3A_255], %parallel_loop3A_253 {strides = array<i32>} : memref<80x128xf32, #tpu.memory_space<vmem>>, vector<16xf32>,
          %parallel_loop3A_257 = arith.index_cast %parallel_loop3A_247 : i32 to index
          %parallel_loop3A_258 = arith.constant 16 : index
          %parallel_loop3A_259 = tpu.vector_load %arg19[%parallel_loop3A_257, %parallel_loop3A_258] {strides = array<i32>} : memref<80x128xf32, #tpu.memory_space<vmem>>, vector<16xf32>,
          %parallel_loop3A_260 = arith.mulf %parallel_loop3A_259, %parallel_loop3A_249 : vector<16xf32>
          %parallel_loop3A_261 = arith.index_cast %parallel_loop3A_247 : i32 to index
          %parallel_loop3A_262 = arith.constant 16 : index
          %parallel_loop3A_263 = tpu.vector_load %arg19[%parallel_loop3A_261, %parallel_loop3A_262] {strides = array<i32>} : memref<80x128xf32, #tpu.memory_space<vmem>>, vector<16xf32>,
          tpu.vector_store %arg19[%parallel_loop3A_261, %parallel_loop3A_262], %parallel_loop3A_260 {strides = array<i32>} : memref<80x128xf32, #tpu.memory_space<vmem>>, vector<16xf32>,
          %parallel_loop3A_264 = arith.index_cast %parallel_loop3A_247 : i32 to index
          %parallel_loop3A_265 = arith.constant 32 : index
          %parallel_loop3A_266 = tpu.vector_load %arg19[%parallel_loop3A_264, %parallel_loop3A_265] {strides = array<i32>} : memref<80x128xf32, #tpu.memory_space<vmem>>, vector<16xf32>,
          %parallel_loop3A_267 = arith.mulf %parallel_loop3A_266, %parallel_loop3A_249 : vector<16xf32>
          %parallel_loop3A_268 = arith.index_cast %parallel_loop3A_247 : i32 to index
          %parallel_loop3A_269 = arith.constant 32 : index
          %parallel_loop3A_270 = tpu.vector_load %arg19[%parallel_loop3A_268, %parallel_loop3A_269] {strides = array<i32>} : memref<80x128xf32, #tpu.memory_space<vmem>>, vector<16xf32>,
          tpu.vector_store %arg19[%parallel_loop3A_268, %parallel_loop3A_269], %parallel_loop3A_267 {strides = array<i32>} : memref<80x128xf32, #tpu.memory_space<vmem>>, vector<16xf32>,
          %parallel_loop3A_271 = arith.index_cast %parallel_loop3A_247 : i32 to index
          %parallel_loop3A_272 = arith.constant 48 : index
          %parallel_loop3A_273 = tpu.vector_load %arg19[%parallel_loop3A_271, %parallel_loop3A_272] {strides = array<i32>} : memref<80x128xf32, #tpu.memory_space<vmem>>, vector<16xf32>,
          %parallel_loop3A_274 = arith.mulf %parallel_loop3A_273, %parallel_loop3A_249 : vector<16xf32>
          %parallel_loop3A_275 = arith.index_cast %parallel_loop3A_247 : i32 to index
          %parallel_loop3A_276 = arith.constant 48 : index
          %parallel_loop3A_277 = tpu.vector_load %arg19[%parallel_loop3A_275, %parallel_loop3A_276] {strides = array<i32>} : memref<80x128xf32, #tpu.memory_space<vmem>>, vector<16xf32>,
          tpu.vector_store %arg19[%parallel_loop3A_275, %parallel_loop3A_276], %parallel_loop3A_274 {strides = array<i32>} : memref<80x128xf32, #tpu.memory_space<vmem>>, vector<16xf32>,
          %parallel_loop3A_278 = arith.index_cast %parallel_loop3A_247 : i32 to index
          %parallel_loop3A_279 = arith.constant 64 : index
          %parallel_loop3A_280 = tpu.vector_load %arg19[%parallel_loop3A_278, %parallel_loop3A_279] {strides = array<i32>} : memref<80x128xf32, #tpu.memory_space<vmem>>, vector<16xf32>,
          %parallel_loop3A_281 = arith.mulf %parallel_loop3A_280, %parallel_loop3A_249 : vector<16xf32>
          %parallel_loop3A_282 = arith.index_cast %parallel_loop3A_247 : i32 to index
          %parallel_loop3A_283 = arith.constant 64 : index
          %parallel_loop3A_284 = tpu.vector_load %arg19[%parallel_loop3A_282, %parallel_loop3A_283] {strides = array<i32>} : memref<80x128xf32, #tpu.memory_space<vmem>>, vector<16xf32>,
          tpu.vector_store %arg19[%parallel_loop3A_282, %parallel_loop3A_283], %parallel_loop3A_281 {strides = array<i32>} : memref<80x128xf32, #tpu.memory_space<vmem>>, vector<16xf32>,
          %parallel_loop3A_285 = arith.index_cast %parallel_loop3A_247 : i32 to index
          %parallel_loop3A_286 = arith.constant 80 : index
          %parallel_loop3A_287 = tpu.vector_load %arg19[%parallel_loop3A_285, %parallel_loop3A_286] {strides = array<i32>} : memref<80x128xf32, #tpu.memory_space<vmem>>, vector<16xf32>,
          %parallel_loop3A_288 = arith.mulf %parallel_loop3A_287, %parallel_loop3A_249 : vector<16xf32>
          %parallel_loop3A_289 = arith.index_cast %parallel_loop3A_247 : i32 to index
          %parallel_loop3A_290 = arith.constant 80 : index
          %parallel_loop3A_291 = tpu.vector_load %arg19[%parallel_loop3A_289, %parallel_loop3A_290] {strides = array<i32>} : memref<80x128xf32, #tpu.memory_space<vmem>>, vector<16xf32>,
          tpu.vector_store %arg19[%parallel_loop3A_289, %parallel_loop3A_290], %parallel_loop3A_288 {strides = array<i32>} : memref<80x128xf32, #tpu.memory_space<vmem>>, vector<16xf32>,
          %parallel_loop3A_292 = arith.index_cast %parallel_loop3A_247 : i32 to index
          %parallel_loop3A_293 = arith.constant 96 : index
          %parallel_loop3A_294 = tpu.vector_load %arg19[%parallel_loop3A_292, %parallel_loop3A_293] {strides = array<i32>} : memref<80x128xf32, #tpu.memory_space<vmem>>, vector<16xf32>,
          %parallel_loop3A_295 = arith.mulf %parallel_loop3A_294, %parallel_loop3A_249 : vector<16xf32>
          %parallel_loop3A_296 = arith.index_cast %parallel_loop3A_247 : i32 to index
          %parallel_loop3A_297 = arith.constant 96 : index
          %parallel_loop3A_298 = tpu.vector_load %arg19[%parallel_loop3A_296, %parallel_loop3A_297] {strides = array<i32>} : memref<80x128xf32, #tpu.memory_space<vmem>>, vector<16xf32>,
          tpu.vector_store %arg19[%parallel_loop3A_296, %parallel_loop3A_297], %parallel_loop3A_295 {strides = array<i32>} : memref<80x128xf32, #tpu.memory_space<vmem>>, vector<16xf32>,
          %parallel_loop3A_299 = arith.index_cast %parallel_loop3A_247 : i32 to index
          %parallel_loop3A_300 = arith.constant 112 : index
          %parallel_loop3A_301 = tpu.vector_load %arg19[%parallel_loop3A_299, %parallel_loop3A_300] {strides = array<i32>} : memref<80x128xf32, #tpu.memory_space<vmem>>, vector<16xf32>,
          %parallel_loop3A_302 = arith.mulf %parallel_loop3A_301, %parallel_loop3A_249 : vector<16xf32>
          %parallel_loop3A_303 = arith.index_cast %parallel_loop3A_247 : i32 to index
          %parallel_loop3A_304 = arith.constant 112 : index
          %parallel_loop3A_305 = tpu.vector_load %arg19[%parallel_loop3A_303, %parallel_loop3A_304] {strides = array<i32>} : memref<80x128xf32, #tpu.memory_space<vmem>>, vector<16xf32>,
          tpu.vector_store %arg19[%parallel_loop3A_303, %parallel_loop3A_304], %parallel_loop3A_302 {strides = array<i32>} : memref<80x128xf32, #tpu.memory_space<vmem>>, vector<16xf32>,
        } {sc.loop_unroll_factor = 4 : i64, sc.parallel_access}
        %dma_start3A_237 = arith.constant 0 : i32
        %dma_start3A_238 = arith.constant 0 : i32
        %dma_start3A_239 = tpu.memref_slice %arg29[%dma_start3A_237, %dma_start3A_238] : memref<10000x128xf32, #tpu.memory_space<vmem_shared>> -> memref<10000x128xf32, #tpu.memory_space<vmem_shared>>
        tpu.enqueue_indirect_dma source(%arg19 : memref<80x128xf32, #tpu.memory_space<vmem>>) target(%dma_start3A_239 : memref<10000x128xf32, #tpu.memory_space<vmem_shared>>) offsets(%arg17 : memref<80xi32, #tpu.memory_space<vmem>>) semaphore(%arg24 : memref<!tpu.dma_semaphore, #tpu.memory_space<semaphore_mem>>) {add = true}
        %dma_start3A_240 = arith.constant 0 : i32
        %dma_start3A_241 = tpu.memref_slice %arg28[%dma_start3A_240] : memref<10240xf32, #tpu.memory_space<vmem_shared>> -> memref<10240xf32, #tpu.memory_space<vmem_shared>>
        tpu.enqueue_indirect_dma source(%arg15 : memref<80xf32, #tpu.memory_space<vmem>>) target(%dma_start3A_241 : memref<10240xf32, #tpu.memory_space<vmem_shared>>) offsets(%arg17 : memref<80xi32, #tpu.memory_space<vmem>>) semaphore(%arg26 : memref<!tpu.dma_semaphore, #tpu.memory_space<semaphore_mem>>) {add = true}
        %lt3A_242 = arith.constant 2000 : i32
        %lt3A_243 = arith.cmpi slt, %add3A_100, %lt3A_242 : i32
        %convert_element_type3A_244 = arith.extui %lt3A_243 : i1 to i32
        %cond3A_245 = arith.constant 0 : i32
        %cond3A_246 = arith.cmpi ne, %convert_element_type3A_244, %cond3A_245 : i32
        scf.if %cond3A_246 {
          %add3A_247 = arith.constant 80 : i32
          %add3A_248 = arith.addi %add3A_100, %add3A_247 : i32
          %lt3A_249 = arith.constant 2000 : i32
          %lt3A_250 = arith.cmpi slt, %add3A_248, %lt3A_249 : i32
          %convert_element_type3A_251 = arith.extui %lt3A_250 : i1 to i32
          %cond3A_252 = arith.constant 0 : i32
          %cond3A_253 = arith.cmpi ne, %convert_element_type3A_251, %cond3A_252 : i32
          scf.if %cond3A_253 {
            %add3A_396 = arith.constant 80 : i32
            %add3A_397 = arith.addi %add3A_100, %add3A_396 : i32
            %dma_wait3A_398 = arith.constant 0 : i32
            %dma_wait3A_399 = arith.constant 0 : i32
            %dma_wait3A_400 = tpu.memref_slice %arg29[%dma_wait3A_398, %dma_wait3A_399] : memref<10000x128xf32, #tpu.memory_space<vmem_shared>> -> memref<10000x128xf32, #tpu.memory_space<vmem_shared>>
            tpu.wait_indirect_dma semaphore(%arg24 : memref<!tpu.dma_semaphore, #tpu.memory_space<semaphore_mem>>) src(%arg19 : memref<80x128xf32, #tpu.memory_space<vmem>>) dst(%dma_wait3A_400 : memref<10000x128xf32, #tpu.memory_space<vmem_shared>>)
            %dma_wait3A_401 = arith.constant 0 : i32
            %dma_wait3A_402 = tpu.memref_slice %arg28[%dma_wait3A_401] : memref<10240xf32, #tpu.memory_space<vmem_shared>> -> memref<10240xf32, #tpu.memory_space<vmem_shared>>
            tpu.wait_indirect_dma semaphore(%arg26 : memref<!tpu.dma_semaphore, #tpu.memory_space<semaphore_mem>>) src(%arg15 : memref<80xf32, #tpu.memory_space<vmem>>) dst(%dma_wait3A_402 : memref<10240xf32, #tpu.memory_space<vmem_shared>>)
            %dma_start3A_403 = tpu.memref_slice %arg10[%add3A_397] : memref<2000xi32, #tpu.memory_space<vmem>> -> memref<80xi32, #tpu.memory_space<vmem>>
            %dma_start3A_404 = arith.constant 0 : i32
            %dma_start3A_405 = arith.constant 0 : i32
            %dma_start3A_406 = tpu.memref_slice %arg7[%dma_start3A_404, %dma_start3A_405] : memref<10000x128xf32, #tpu.memory_space<hbm>> -> memref<10000x128xf32, #tpu.memory_space<hbm>>
            tpu.enqueue_indirect_dma source(%dma_start3A_406 : memref<10000x128xf32, #tpu.memory_space<hbm>>) target(%arg19 : memref<80x128xf32, #tpu.memory_space<vmem>>) offsets(%dma_start3A_403 : memref<80xi32, #tpu.memory_space<vmem>>) semaphore(%arg22 : memref<!tpu.dma_semaphore, #tpu.memory_space<semaphore_mem>>)
          } else {
          }
          %add3A_254 = arith.constant 0 : i32
          %add3A_255 = arith.addi %add3A_100, %add3A_254 : i32
          %get3A_256 = arith.index_cast %add3A_255 : i32 to index
          %get3A_257 = tpu.vector_load %arg10[%get3A_256] {strides = array<i32>} : memref<2000xi32, #tpu.memory_space<vmem>>, vector<16xi32>,
          %add3A_258 = arith.constant 16 : i32
          %add3A_259 = arith.addi %add3A_100, %add3A_258 : i32
          %get3A_260 = arith.index_cast %add3A_259 : i32 to index
          %get3A_261 = tpu.vector_load %arg10[%get3A_260] {strides = array<i32>} : memref<2000xi32, #tpu.memory_space<vmem>>, vector<16xi32>,
          %add3A_262 = arith.constant 32 : i32
          %add3A_263 = arith.addi %add3A_100, %add3A_262 : i32
          %get3A_264 = arith.index_cast %add3A_263 : i32 to index
          %get3A_265 = tpu.vector_load %arg10[%get3A_264] {strides = array<i32>} : memref<2000xi32, #tpu.memory_space<vmem>>, vector<16xi32>,
          %add3A_266 = arith.constant 48 : i32
          %add3A_267 = arith.addi %add3A_100, %add3A_266 : i32
          %get3A_268 = arith.index_cast %add3A_267 : i32 to index
          %get3A_269 = tpu.vector_load %arg10[%get3A_268] {strides = array<i32>} : memref<2000xi32, #tpu.memory_space<vmem>>, vector<16xi32>,
          %add3A_270 = arith.constant 64 : i32
          %add3A_271 = arith.addi %add3A_100, %add3A_270 : i32
          %get3A_272 = arith.index_cast %add3A_271 : i32 to index
          %get3A_273 = tpu.vector_load %arg10[%get3A_272] {strides = array<i32>} : memref<2000xi32, #tpu.memory_space<vmem>>, vector<16xi32>,
          %add3A_274 = arith.constant 0 : i32
          %add3A_275 = arith.addi %add3A_100, %add3A_274 : i32
          %get3A_276 = arith.index_cast %add3A_275 : i32 to index
          %get3A_277 = tpu.vector_load %arg11[%get3A_276] {strides = array<i32>} : memref<2000xi32, #tpu.memory_space<vmem>>, vector<16xi32>,
          %add3A_278 = arith.constant 16 : i32
          %add3A_279 = arith.addi %add3A_100, %add3A_278 : i32
          %get3A_280 = arith.index_cast %add3A_279 : i32 to index
          %get3A_281 = tpu.vector_load %arg11[%get3A_280] {strides = array<i32>} : memref<2000xi32, #tpu.memory_space<vmem>>, vector<16xi32>,
          %add3A_282 = arith.constant 32 : i32
          %add3A_283 = arith.addi %add3A_100, %add3A_282 : i32
          %get3A_284 = arith.index_cast %add3A_283 : i32 to index
          %get3A_285 = tpu.vector_load %arg11[%get3A_284] {strides = array<i32>} : memref<2000xi32, #tpu.memory_space<vmem>>, vector<16xi32>,
          %add3A_286 = arith.constant 48 : i32
          %add3A_287 = arith.addi %add3A_100, %add3A_286 : i32
          %get3A_288 = arith.index_cast %add3A_287 : i32 to index
          %get3A_289 = tpu.vector_load %arg11[%get3A_288] {strides = array<i32>} : memref<2000xi32, #tpu.memory_space<vmem>>, vector<16xi32>,
          %add3A_290 = arith.constant 64 : i32
          %add3A_291 = arith.addi %add3A_100, %add3A_290 : i32
          %get3A_292 = arith.index_cast %add3A_291 : i32 to index
          %get3A_293 = tpu.vector_load %arg11[%get3A_292] {strides = array<i32>} : memref<2000xi32, #tpu.memory_space<vmem>>, vector<16xi32>,
          %gather3A_294 = tpu.vector_load_idx %arg12[%get3A_257] : memref<10000xf32, #tpu.memory_space<vmem>>[vector<16xi32>], vector<16xf32>,
          %gather3A_295 = tpu.vector_load_idx %arg12[%get3A_261] : memref<10000xf32, #tpu.memory_space<vmem>>[vector<16xi32>], vector<16xf32>,
          %gather3A_296 = tpu.vector_load_idx %arg12[%get3A_265] : memref<10000xf32, #tpu.memory_space<vmem>>[vector<16xi32>], vector<16xf32>,
          %gather3A_297 = tpu.vector_load_idx %arg12[%get3A_269] : memref<10000xf32, #tpu.memory_space<vmem>>[vector<16xi32>], vector<16xf32>,
          %gather3A_298 = tpu.vector_load_idx %arg12[%get3A_273] : memref<10000xf32, #tpu.memory_space<vmem>>[vector<16xi32>], vector<16xf32>,
          %gather3A_299 = tpu.vector_load_idx %arg13[%get3A_277] : memref<10000xf32, #tpu.memory_space<vmem>>[vector<16xi32>], vector<16xf32>,
          %gather3A_300 = tpu.vector_load_idx %arg13[%get3A_281] : memref<10000xf32, #tpu.memory_space<vmem>>[vector<16xi32>], vector<16xf32>,
          %gather3A_301 = tpu.vector_load_idx %arg13[%get3A_285] : memref<10000xf32, #tpu.memory_space<vmem>>[vector<16xi32>], vector<16xf32>,
          %gather3A_302 = tpu.vector_load_idx %arg13[%get3A_289] : memref<10000xf32, #tpu.memory_space<vmem>>[vector<16xi32>], vector<16xf32>,
          %gather3A_303 = tpu.vector_load_idx %arg13[%get3A_293] : memref<10000xf32, #tpu.memory_space<vmem>>[vector<16xi32>], vector<16xf32>,
          %add3A_304 = arith.addf %get3A_0, %gather3A_299 : vector<16xf32>
          %mul3A_305 = arith.constant 2.000000e-01 : f32
          %mul3A_306 = vector.broadcast %mul3A_305 : f32 to vector<16xf32>
          %mul3A_307 = arith.mulf %mul3A_306, %add3A_304 : vector<16xf32>
          %max3A_308 = arith.maximumf %add3A_304, %mul3A_307 : vector<16xf32>
          %add3A_309 = arith.addf %gather3A_294, %gather3A_299 : vector<16xf32>
          %mul3A_310 = arith.constant 2.000000e-01 : f32
          %mul3A_311 = vector.broadcast %mul3A_310 : f32 to vector<16xf32>
          %mul3A_312 = arith.mulf %mul3A_311, %add3A_309 : vector<16xf32>
          %max3A_313 = arith.maximumf %add3A_309, %mul3A_312 : vector<16xf32>
          %sub3A_314 = arith.subf %max3A_313, %max3A_308 : vector<16xf32>
          %exp3A_315 = math.exp %sub3A_314 : vector<16xf32>
          %swap3A_316 = arith.constant 0 : index
          %swap3A_317 = tpu.vector_load %arg16[%swap3A_316] {strides = array<i32>} : memref<80xf32, #tpu.memory_space<vmem>>, vector<16xf32>,
          tpu.vector_store %arg16[%swap3A_316], %exp3A_315 {strides = array<i32>} : memref<80xf32, #tpu.memory_space<vmem>>, vector<16xf32>,
          %swap3A_318 = arith.constant 0 : index
          %swap3A_319 = tpu.vector_load %arg18[%swap3A_318] {strides = array<i32>} : memref<80xi32, #tpu.memory_space<vmem>>, vector<16xi32>,
          tpu.vector_store %arg18[%swap3A_318], %get3A_277 {strides = array<i32>} : memref<80xi32, #tpu.memory_space<vmem>>, vector<16xi32>,
          %add3A_320 = arith.addf %get3A_0, %gather3A_300 : vector<16xf32>
          %mul3A_321 = arith.constant 2.000000e-01 : f32
          %mul3A_322 = vector.broadcast %mul3A_321 : f32 to vector<16xf32>
          %mul3A_323 = arith.mulf %mul3A_322, %add3A_320 : vector<16xf32>
          %max3A_324 = arith.maximumf %add3A_320, %mul3A_323 : vector<16xf32>
          %add3A_325 = arith.addf %gather3A_295, %gather3A_300 : vector<16xf32>
          %mul3A_326 = arith.constant 2.000000e-01 : f32
          %mul3A_327 = vector.broadcast %mul3A_326 : f32 to vector<16xf32>
          %mul3A_328 = arith.mulf %mul3A_327, %add3A_325 : vector<16xf32>
          %max3A_329 = arith.maximumf %add3A_325, %mul3A_328 : vector<16xf32>
          %sub3A_330 = arith.subf %max3A_329, %max3A_324 : vector<16xf32>
          %exp3A_331 = math.exp %sub3A_330 : vector<16xf32>
          %swap3A_332 = arith.constant 16 : index
          %swap3A_333 = tpu.vector_load %arg16[%swap3A_332] {strides = array<i32>} : memref<80xf32, #tpu.memory_space<vmem>>, vector<16xf32>,
          tpu.vector_store %arg16[%swap3A_332], %exp3A_331 {strides = array<i32>} : memref<80xf32, #tpu.memory_space<vmem>>, vector<16xf32>,
          %swap3A_334 = arith.constant 16 : index
          %swap3A_335 = tpu.vector_load %arg18[%swap3A_334] {strides = array<i32>} : memref<80xi32, #tpu.memory_space<vmem>>, vector<16xi32>,
          tpu.vector_store %arg18[%swap3A_334], %get3A_281 {strides = array<i32>} : memref<80xi32, #tpu.memory_space<vmem>>, vector<16xi32>,
          %add3A_336 = arith.addf %get3A_0, %gather3A_301 : vector<16xf32>
          %mul3A_337 = arith.constant 2.000000e-01 : f32
          %mul3A_338 = vector.broadcast %mul3A_337 : f32 to vector<16xf32>
          %mul3A_339 = arith.mulf %mul3A_338, %add3A_336 : vector<16xf32>
          %max3A_340 = arith.maximumf %add3A_336, %mul3A_339 : vector<16xf32>
          %add3A_341 = arith.addf %gather3A_296, %gather3A_301 : vector<16xf32>
          %mul3A_342 = arith.constant 2.000000e-01 : f32
          %mul3A_343 = vector.broadcast %mul3A_342 : f32 to vector<16xf32>
          %mul3A_344 = arith.mulf %mul3A_343, %add3A_341 : vector<16xf32>
          %max3A_345 = arith.maximumf %add3A_341, %mul3A_344 : vector<16xf32>
          %sub3A_346 = arith.subf %max3A_345, %max3A_340 : vector<16xf32>
          %exp3A_347 = math.exp %sub3A_346 : vector<16xf32>
          %swap3A_348 = arith.constant 32 : index
          %swap3A_349 = tpu.vector_load %arg16[%swap3A_348] {strides = array<i32>} : memref<80xf32, #tpu.memory_space<vmem>>, vector<16xf32>,
          tpu.vector_store %arg16[%swap3A_348], %exp3A_347 {strides = array<i32>} : memref<80xf32, #tpu.memory_space<vmem>>, vector<16xf32>,
          %swap3A_350 = arith.constant 32 : index
          %swap3A_351 = tpu.vector_load %arg18[%swap3A_350] {strides = array<i32>} : memref<80xi32, #tpu.memory_space<vmem>>, vector<16xi32>,
          tpu.vector_store %arg18[%swap3A_350], %get3A_285 {strides = array<i32>} : memref<80xi32, #tpu.memory_space<vmem>>, vector<16xi32>,
          %add3A_352 = arith.addf %get3A_0, %gather3A_302 : vector<16xf32>
          %mul3A_353 = arith.constant 2.000000e-01 : f32
          %mul3A_354 = vector.broadcast %mul3A_353 : f32 to vector<16xf32>
          %mul3A_355 = arith.mulf %mul3A_354, %add3A_352 : vector<16xf32>
          %max3A_356 = arith.maximumf %add3A_352, %mul3A_355 : vector<16xf32>
          %add3A_357 = arith.addf %gather3A_297, %gather3A_302 : vector<16xf32>
          %mul3A_358 = arith.constant 2.000000e-01 : f32
          %mul3A_359 = vector.broadcast %mul3A_358 : f32 to vector<16xf32>
          %mul3A_360 = arith.mulf %mul3A_359, %add3A_357 : vector<16xf32>
          %max3A_361 = arith.maximumf %add3A_357, %mul3A_360 : vector<16xf32>
          %sub3A_362 = arith.subf %max3A_361, %max3A_356 : vector<16xf32>
          %exp3A_363 = math.exp %sub3A_362 : vector<16xf32>
          %swap3A_364 = arith.constant 48 : index
          %swap3A_365 = tpu.vector_load %arg16[%swap3A_364] {strides = array<i32>} : memref<80xf32, #tpu.memory_space<vmem>>, vector<16xf32>,
          tpu.vector_store %arg16[%swap3A_364], %exp3A_363 {strides = array<i32>} : memref<80xf32, #tpu.memory_space<vmem>>, vector<16xf32>,
          %swap3A_366 = arith.constant 48 : index
          %swap3A_367 = tpu.vector_load %arg18[%swap3A_366] {strides = array<i32>} : memref<80xi32, #tpu.memory_space<vmem>>, vector<16xi32>,
          tpu.vector_store %arg18[%swap3A_366], %get3A_289 {strides = array<i32>} : memref<80xi32, #tpu.memory_space<vmem>>, vector<16xi32>,
          %add3A_368 = arith.addf %get3A_0, %gather3A_303 : vector<16xf32>
          %mul3A_369 = arith.constant 2.000000e-01 : f32
          %mul3A_370 = vector.broadcast %mul3A_369 : f32 to vector<16xf32>
          %mul3A_371 = arith.mulf %mul3A_370, %add3A_368 : vector<16xf32>
          %max3A_372 = arith.maximumf %add3A_368, %mul3A_371 : vector<16xf32>
          %add3A_373 = arith.addf %gather3A_298, %gather3A_303 : vector<16xf32>
          %mul3A_374 = arith.constant 2.000000e-01 : f32
          %mul3A_375 = vector.broadcast %mul3A_374 : f32 to vector<16xf32>
          %mul3A_376 = arith.mulf %mul3A_375, %add3A_373 : vector<16xf32>
          %max3A_377 = arith.maximumf %add3A_373, %mul3A_376 : vector<16xf32>
          %sub3A_378 = arith.subf %max3A_377, %max3A_372 : vector<16xf32>
          %exp3A_379 = math.exp %sub3A_378 : vector<16xf32>
          %swap3A_380 = arith.constant 64 : index
          %swap3A_381 = tpu.vector_load %arg16[%swap3A_380] {strides = array<i32>} : memref<80xf32, #tpu.memory_space<vmem>>, vector<16xf32>,
          tpu.vector_store %arg16[%swap3A_380], %exp3A_379 {strides = array<i32>} : memref<80xf32, #tpu.memory_space<vmem>>, vector<16xf32>,
          %swap3A_382 = arith.constant 64 : index
          %swap3A_383 = tpu.vector_load %arg18[%swap3A_382] {strides = array<i32>} : memref<80xi32, #tpu.memory_space<vmem>>, vector<16xi32>,
          tpu.vector_store %arg18[%swap3A_382], %get3A_293 {strides = array<i32>} : memref<80xi32, #tpu.memory_space<vmem>>, vector<16xi32>,
          %dma_wait3A_384 = tpu.memref_slice %arg10[%add3A_100] : memref<2000xi32, #tpu.memory_space<vmem>> -> memref<80xi32, #tpu.memory_space<vmem>>
          %dma_wait3A_385 = arith.constant 0 : i32
          %dma_wait3A_386 = arith.constant 0 : i32
          %dma_wait3A_387 = tpu.memref_slice %arg7[%dma_wait3A_385, %dma_wait3A_386] : memref<10000x128xf32, #tpu.memory_space<hbm>> -> memref<10000x128xf32, #tpu.memory_space<hbm>>
          tpu.wait_indirect_dma semaphore(%arg23 : memref<!tpu.dma_semaphore, #tpu.memory_space<semaphore_mem>>) src(%dma_wait3A_387 : memref<10000x128xf32, #tpu.memory_space<hbm>>) dst(%arg20 : memref<80x128xf32, #tpu.memory_space<vmem>>)
          %parallel_loop3A_388 = arith.constant 0 : i32
          %parallel_loop3A_389 = arith.constant 80 : i32
          %parallel_loop3A_390 = arith.constant 1 : i32
          scf.for %parallel_loop3A_396 = %parallel_loop3A_388 to %parallel_loop3A_389 step %parallel_loop3A_390  : i32 {
            %parallel_loop3A_397 = vector.broadcast %parallel_loop3A_396 : i32 to vector<16xi32>
            %parallel_loop3A_398 = tpu.vector_load_idx %arg16[%parallel_loop3A_397] : memref<80xf32, #tpu.memory_space<vmem>>[vector<16xi32>], vector<16xf32>,
            %parallel_loop3A_399 = arith.index_cast %parallel_loop3A_396 : i32 to index
            %parallel_loop3A_400 = arith.constant 0 : index
            %parallel_loop3A_401 = tpu.vector_load %arg20[%parallel_loop3A_399, %parallel_loop3A_400] {strides = array<i32>} : memref<80x128xf32, #tpu.memory_space<vmem>>, vector<16xf32>,
            %parallel_loop3A_402 = arith.mulf %parallel_loop3A_401, %parallel_loop3A_398 : vector<16xf32>
            %parallel_loop3A_403 = arith.index_cast %parallel_loop3A_396 : i32 to index
            %parallel_loop3A_404 = arith.constant 0 : index
            %parallel_loop3A_405 = tpu.vector_load %arg20[%parallel_loop3A_403, %parallel_loop3A_404] {strides = array<i32>} : memref<80x128xf32, #tpu.memory_space<vmem>>, vector<16xf32>,
            tpu.vector_store %arg20[%parallel_loop3A_403, %parallel_loop3A_404], %parallel_loop3A_402 {strides = array<i32>} : memref<80x128xf32, #tpu.memory_space<vmem>>, vector<16xf32>,
            %parallel_loop3A_406 = arith.index_cast %parallel_loop3A_396 : i32 to index
            %parallel_loop3A_407 = arith.constant 16 : index
            %parallel_loop3A_408 = tpu.vector_load %arg20[%parallel_loop3A_406, %parallel_loop3A_407] {strides = array<i32>} : memref<80x128xf32, #tpu.memory_space<vmem>>, vector<16xf32>,
            %parallel_loop3A_409 = arith.mulf %parallel_loop3A_408, %parallel_loop3A_398 : vector<16xf32>
            %parallel_loop3A_410 = arith.index_cast %parallel_loop3A_396 : i32 to index
            %parallel_loop3A_411 = arith.constant 16 : index
            %parallel_loop3A_412 = tpu.vector_load %arg20[%parallel_loop3A_410, %parallel_loop3A_411] {strides = array<i32>} : memref<80x128xf32, #tpu.memory_space<vmem>>, vector<16xf32>,
            tpu.vector_store %arg20[%parallel_loop3A_410, %parallel_loop3A_411], %parallel_loop3A_409 {strides = array<i32>} : memref<80x128xf32, #tpu.memory_space<vmem>>, vector<16xf32>,
            %parallel_loop3A_413 = arith.index_cast %parallel_loop3A_396 : i32 to index
            %parallel_loop3A_414 = arith.constant 32 : index
            %parallel_loop3A_415 = tpu.vector_load %arg20[%parallel_loop3A_413, %parallel_loop3A_414] {strides = array<i32>} : memref<80x128xf32, #tpu.memory_space<vmem>>, vector<16xf32>,
            %parallel_loop3A_416 = arith.mulf %parallel_loop3A_415, %parallel_loop3A_398 : vector<16xf32>
            %parallel_loop3A_417 = arith.index_cast %parallel_loop3A_396 : i32 to index
            %parallel_loop3A_418 = arith.constant 32 : index
            %parallel_loop3A_419 = tpu.vector_load %arg20[%parallel_loop3A_417, %parallel_loop3A_418] {strides = array<i32>} : memref<80x128xf32, #tpu.memory_space<vmem>>, vector<16xf32>,
            tpu.vector_store %arg20[%parallel_loop3A_417, %parallel_loop3A_418], %parallel_loop3A_416 {strides = array<i32>} : memref<80x128xf32, #tpu.memory_space<vmem>>, vector<16xf32>,
            %parallel_loop3A_420 = arith.index_cast %parallel_loop3A_396 : i32 to index
            %parallel_loop3A_421 = arith.constant 48 : index
            %parallel_loop3A_422 = tpu.vector_load %arg20[%parallel_loop3A_420, %parallel_loop3A_421] {strides = array<i32>} : memref<80x128xf32, #tpu.memory_space<vmem>>, vector<16xf32>,
            %parallel_loop3A_423 = arith.mulf %parallel_loop3A_422, %parallel_loop3A_398 : vector<16xf32>
            %parallel_loop3A_424 = arith.index_cast %parallel_loop3A_396 : i32 to index
            %parallel_loop3A_425 = arith.constant 48 : index
            %parallel_loop3A_426 = tpu.vector_load %arg20[%parallel_loop3A_424, %parallel_loop3A_425] {strides = array<i32>} : memref<80x128xf32, #tpu.memory_space<vmem>>, vector<16xf32>,
            tpu.vector_store %arg20[%parallel_loop3A_424, %parallel_loop3A_425], %parallel_loop3A_423 {strides = array<i32>} : memref<80x128xf32, #tpu.memory_space<vmem>>, vector<16xf32>,
            %parallel_loop3A_427 = arith.index_cast %parallel_loop3A_396 : i32 to index
            %parallel_loop3A_428 = arith.constant 64 : index
            %parallel_loop3A_429 = tpu.vector_load %arg20[%parallel_loop3A_427, %parallel_loop3A_428] {strides = array<i32>} : memref<80x128xf32, #tpu.memory_space<vmem>>, vector<16xf32>,
            %parallel_loop3A_430 = arith.mulf %parallel_loop3A_429, %parallel_loop3A_398 : vector<16xf32>
            %parallel_loop3A_431 = arith.index_cast %parallel_loop3A_396 : i32 to index
            %parallel_loop3A_432 = arith.constant 64 : index
            %parallel_loop3A_433 = tpu.vector_load %arg20[%parallel_loop3A_431, %parallel_loop3A_432] {strides = array<i32>} : memref<80x128xf32, #tpu.memory_space<vmem>>, vector<16xf32>,
            tpu.vector_store %arg20[%parallel_loop3A_431, %parallel_loop3A_432], %parallel_loop3A_430 {strides = array<i32>} : memref<80x128xf32, #tpu.memory_space<vmem>>, vector<16xf32>,
            %parallel_loop3A_434 = arith.index_cast %parallel_loop3A_396 : i32 to index
            %parallel_loop3A_435 = arith.constant 80 : index
            %parallel_loop3A_436 = tpu.vector_load %arg20[%parallel_loop3A_434, %parallel_loop3A_435] {strides = array<i32>} : memref<80x128xf32, #tpu.memory_space<vmem>>, vector<16xf32>,
            %parallel_loop3A_437 = arith.mulf %parallel_loop3A_436, %parallel_loop3A_398 : vector<16xf32>
            %parallel_loop3A_438 = arith.index_cast %parallel_loop3A_396 : i32 to index
            %parallel_loop3A_439 = arith.constant 80 : index
            %parallel_loop3A_440 = tpu.vector_load %arg20[%parallel_loop3A_438, %parallel_loop3A_439] {strides = array<i32>} : memref<80x128xf32, #tpu.memory_space<vmem>>, vector<16xf32>,
            tpu.vector_store %arg20[%parallel_loop3A_438, %parallel_loop3A_439], %parallel_loop3A_437 {strides = array<i32>} : memref<80x128xf32, #tpu.memory_space<vmem>>, vector<16xf32>,
            %parallel_loop3A_441 = arith.index_cast %parallel_loop3A_396 : i32 to index
            %parallel_loop3A_442 = arith.constant 96 : index
            %parallel_loop3A_443 = tpu.vector_load %arg20[%parallel_loop3A_441, %parallel_loop3A_442] {strides = array<i32>} : memref<80x128xf32, #tpu.memory_space<vmem>>, vector<16xf32>,
            %parallel_loop3A_444 = arith.mulf %parallel_loop3A_443, %parallel_loop3A_398 : vector<16xf32>
            %parallel_loop3A_445 = arith.index_cast %parallel_loop3A_396 : i32 to index
            %parallel_loop3A_446 = arith.constant 96 : index
            %parallel_loop3A_447 = tpu.vector_load %arg20[%parallel_loop3A_445, %parallel_loop3A_446] {strides = array<i32>} : memref<80x128xf32, #tpu.memory_space<vmem>>, vector<16xf32>,
            tpu.vector_store %arg20[%parallel_loop3A_445, %parallel_loop3A_446], %parallel_loop3A_444 {strides = array<i32>} : memref<80x128xf32, #tpu.memory_space<vmem>>, vector<16xf32>,
            %parallel_loop3A_448 = arith.index_cast %parallel_loop3A_396 : i32 to index
            %parallel_loop3A_449 = arith.constant 112 : index
            %parallel_loop3A_450 = tpu.vector_load %arg20[%parallel_loop3A_448, %parallel_loop3A_449] {strides = array<i32>} : memref<80x128xf32, #tpu.memory_space<vmem>>, vector<16xf32>,
            %parallel_loop3A_451 = arith.mulf %parallel_loop3A_450, %parallel_loop3A_398 : vector<16xf32>
            %parallel_loop3A_452 = arith.index_cast %parallel_loop3A_396 : i32 to index
            %parallel_loop3A_453 = arith.constant 112 : index
            %parallel_loop3A_454 = tpu.vector_load %arg20[%parallel_loop3A_452, %parallel_loop3A_453] {strides = array<i32>} : memref<80x128xf32, #tpu.memory_space<vmem>>, vector<16xf32>,
            tpu.vector_store %arg20[%parallel_loop3A_452, %parallel_loop3A_453], %parallel_loop3A_451 {strides = array<i32>} : memref<80x128xf32, #tpu.memory_space<vmem>>, vector<16xf32>,
          } {sc.loop_unroll_factor = 4 : i64, sc.parallel_access}
          %dma_start3A_391 = arith.constant 0 : i32
          %dma_start3A_392 = arith.constant 0 : i32
          %dma_start3A_393 = tpu.memref_slice %arg29[%dma_start3A_391, %dma_start3A_392] : memref<10000x128xf32, #tpu.memory_space<vmem_shared>> -> memref<10000x128xf32, #tpu.memory_space<vmem_shared>>
          tpu.enqueue_indirect_dma source(%arg20 : memref<80x128xf32, #tpu.memory_space<vmem>>) target(%dma_start3A_393 : memref<10000x128xf32, #tpu.memory_space<vmem_shared>>) offsets(%arg18 : memref<80xi32, #tpu.memory_space<vmem>>) semaphore(%arg25 : memref<!tpu.dma_semaphore, #tpu.memory_space<semaphore_mem>>) {add = true}
          %dma_start3A_394 = arith.constant 0 : i32
          %dma_start3A_395 = tpu.memref_slice %arg28[%dma_start3A_394] : memref<10240xf32, #tpu.memory_space<vmem_shared>> -> memref<10240xf32, #tpu.memory_space<vmem_shared>>
          tpu.enqueue_indirect_dma source(%arg16 : memref<80xf32, #tpu.memory_space<vmem>>) target(%dma_start3A_395 : memref<10240xf32, #tpu.memory_space<vmem_shared>>) offsets(%arg18 : memref<80xi32, #tpu.memory_space<vmem>>) semaphore(%arg27 : memref<!tpu.dma_semaphore, #tpu.memory_space<semaphore_mem>>) {add = true}
        } else {
        }
      }
      %scan3A_90 = arith.constant 13 : i32
    }
    %scan3A_49 = arith.constant 5 : i32
    %dma_wait3A = arith.constant 0 : i32
    %dma_wait3A_50 = arith.constant 0 : i32
    %dma_wait3A_51 = tpu.memref_slice %arg29[%dma_wait3A, %dma_wait3A_50] : memref<10000x128xf32, #tpu.memory_space<vmem_shared>> -> memref<10000x128xf32, #tpu.memory_space<vmem_shared>>
    tpu.wait_indirect_dma semaphore(%arg24 : memref<!tpu.dma_semaphore, #tpu.memory_space<semaphore_mem>>) src(%arg19 : memref<80x128xf32, #tpu.memory_space<vmem>>) dst(%dma_wait3A_51 : memref<10000x128xf32, #tpu.memory_space<vmem_shared>>)
    %dma_wait3A_52 = arith.constant 0 : i32
    %dma_wait3A_53 = tpu.memref_slice %arg28[%dma_wait3A_52] : memref<10240xf32, #tpu.memory_space<vmem_shared>> -> memref<10240xf32, #tpu.memory_space<vmem_shared>>
    tpu.wait_indirect_dma semaphore(%arg26 : memref<!tpu.dma_semaphore, #tpu.memory_space<semaphore_mem>>) src(%arg15 : memref<80xf32, #tpu.memory_space<vmem>>) dst(%dma_wait3A_53 : memref<10240xf32, #tpu.memory_space<vmem_shared>>)
    %dma_wait3A_54 = arith.constant 0 : i32
    %dma_wait3A_55 = arith.constant 0 : i32
    %dma_wait3A_56 = tpu.memref_slice %arg29[%dma_wait3A_54, %dma_wait3A_55] : memref<10000x128xf32, #tpu.memory_space<vmem_shared>> -> memref<10000x128xf32, #tpu.memory_space<vmem_shared>>
    tpu.wait_indirect_dma semaphore(%arg25 : memref<!tpu.dma_semaphore, #tpu.memory_space<semaphore_mem>>) src(%arg20 : memref<80x128xf32, #tpu.memory_space<vmem>>) dst(%dma_wait3A_56 : memref<10000x128xf32, #tpu.memory_space<vmem_shared>>)
    %dma_wait3A_57 = arith.constant 0 : i32
    %dma_wait3A_58 = tpu.memref_slice %arg28[%dma_wait3A_57] : memref<10240xf32, #tpu.memory_space<vmem_shared>> -> memref<10240xf32, #tpu.memory_space<vmem_shared>>
    tpu.wait_indirect_dma semaphore(%arg27 : memref<!tpu.dma_semaphore, #tpu.memory_space<semaphore_mem>>) src(%arg16 : memref<80xf32, #tpu.memory_space<vmem>>) dst(%dma_wait3A_58 : memref<10240xf32, #tpu.memory_space<vmem_shared>>)
    %barrier3A_59 = arith.constant 0 : index
    tpu.barrier barrier_id(%barrier3A_59)
    %run_scoped3A = arith.constant 0 : i32
    "tpu.region"() ({
      %run_scoped3A_70 = tpu.sem_alloc : memref<!tpu.dma_semaphore, #tpu.memory_space<semaphore_mem>>
      %dma_start3A_71 = tpu.memref_slice %arg9[%arg0, %run_scoped3A, %mul3A_25] : memref<2x1x10240xf32, #tpu.memory_space<hbm>> -> memref<1x1x640xf32, #tpu.memory_space<hbm>>
      %dma_start3A_72 = tpu.memref_squeeze %dma_start3A_71 : memref<1x1x640xf32, #tpu.memory_space<hbm>> -> memref<640xf32, #tpu.memory_space<hbm>>
      %dma_start3A_73 = tpu.memref_slice %arg28[%mul3A_25] : memref<10240xf32, #tpu.memory_space<vmem_shared>> -> memref<640xf32, #tpu.memory_space<vmem_shared>>
      tpu.enqueue_dma source(%dma_start3A_73 : memref<640xf32, #tpu.memory_space<vmem_shared>>) target(%dma_start3A_72 : memref<640xf32, #tpu.memory_space<hbm>>) target_semaphore(%run_scoped3A_70 : memref<!tpu.dma_semaphore, #tpu.memory_space<semaphore_mem>>)
      %dma_wait3A_74 = tpu.memref_slice %arg9[%arg0, %run_scoped3A, %mul3A_25] : memref<2x1x10240xf32, #tpu.memory_space<hbm>> -> memref<1x1x640xf32, #tpu.memory_space<hbm>>
      %dma_wait3A_75 = tpu.memref_squeeze %dma_wait3A_74 : memref<1x1x640xf32, #tpu.memory_space<hbm>> -> memref<640xf32, #tpu.memory_space<hbm>>
      %dma_wait3A_76 = tpu.memref_slice %arg28[%mul3A_25] : memref<10240xf32, #tpu.memory_space<vmem_shared>> -> memref<640xf32, #tpu.memory_space<vmem_shared>>
      tpu.wait_dma2 semaphore(%run_scoped3A_70 : memref<!tpu.dma_semaphore, #tpu.memory_space<semaphore_mem>>) src(%dma_wait3A_76 : memref<640xf32, #tpu.memory_space<vmem_shared>>) dst(%dma_wait3A_75 : memref<640xf32, #tpu.memory_space<hbm>>)
      tpu.yield
    }) : () -> ()
    %lt3A_60 = arith.constant 15 : i32
    %lt3A_61 = arith.cmpi slt, %arg1, %lt3A_60 : i32
    %convert_element_type3A_62 = arith.extui %lt3A_61 : i1 to i32
    %cond3A_63 = arith.constant 0 : i32
    %cond3A_64 = arith.cmpi ne, %convert_element_type3A_62, %cond3A_63 : i32
    scf.if %cond3A_64 {
      "tpu.region"() ({
        %run_scoped3A_70 = tpu.sem_alloc : memref<!tpu.dma_semaphore, #tpu.memory_space<semaphore_mem>>
        %dma_start3A_71 = arith.constant 0 : i32
        %dma_start3A_72 = tpu.memref_slice %arg8[%arg0, %mul3A_25, %dma_start3A_71] : memref<2x10000x128xf32, #tpu.memory_space<hbm>> -> memref<1x640x128xf32, #tpu.memory_space<hbm>>
        %dma_start3A_73 = tpu.memref_squeeze %dma_start3A_72 : memref<1x640x128xf32, #tpu.memory_space<hbm>> -> memref<640x128xf32, #tpu.memory_space<hbm>>
        %dma_start3A_74 = arith.constant 0 : i32
        %dma_start3A_75 = tpu.memref_slice %arg29[%mul3A_25, %dma_start3A_74] : memref<10000x128xf32, #tpu.memory_space<vmem_shared>> -> memref<640x128xf32, #tpu.memory_space<vmem_shared>>
        tpu.enqueue_dma source(%dma_start3A_75 : memref<640x128xf32, #tpu.memory_space<vmem_shared>>) target(%dma_start3A_73 : memref<640x128xf32, #tpu.memory_space<hbm>>) target_semaphore(%run_scoped3A_70 : memref<!tpu.dma_semaphore, #tpu.memory_space<semaphore_mem>>)
        %dma_wait3A_76 = arith.constant 0 : i32
        %dma_wait3A_77 = tpu.memref_slice %arg8[%arg0, %mul3A_25, %dma_wait3A_76] : memref<2x10000x128xf32, #tpu.memory_space<hbm>> -> memref<1x640x128xf32, #tpu.memory_space<hbm>>
        %dma_wait3A_78 = tpu.memref_squeeze %dma_wait3A_77 : memref<1x640x128xf32, #tpu.memory_space<hbm>> -> memref<640x128xf32, #tpu.memory_space<hbm>>
        %dma_wait3A_79 = arith.constant 0 : i32
        %dma_wait3A_80 = tpu.memref_slice %arg29[%mul3A_25, %dma_wait3A_79] : memref<10000x128xf32, #tpu.memory_space<vmem_shared>> -> memref<640x128xf32, #tpu.memory_space<vmem_shared>>
        tpu.wait_dma2 semaphore(%run_scoped3A_70 : memref<!tpu.dma_semaphore, #tpu.memory_space<semaphore_mem>>) src(%dma_wait3A_80 : memref<640x128xf32, #tpu.memory_space<vmem_shared>>) dst(%dma_wait3A_78 : memref<640x128xf32, #tpu.memory_space<hbm>>)
        tpu.yield
      }) : () -> ()
    } else {
    }
    %eq3A_65 = arith.constant 15 : i32
    %eq3A_66 = arith.cmpi eq, %arg1, %eq3A_65 : i32
    %convert_element_type3A_67 = arith.extui %eq3A_66 : i1 to i32
    %cond3A_68 = arith.constant 0 : i32
    %cond3A_69 = arith.cmpi ne, %convert_element_type3A_67, %cond3A_68 : i32
    scf.if %cond3A_69 {
      "tpu.region"() ({
        %run_scoped3A_70 = tpu.sem_alloc : memref<!tpu.dma_semaphore, #tpu.memory_space<semaphore_mem>>
        %dma_start3A_71 = arith.constant 0 : i32
        %dma_start3A_72 = tpu.memref_slice %arg8[%arg0, %mul3A_25, %dma_start3A_71] : memref<2x10000x128xf32, #tpu.memory_space<hbm>> -> memref<1x400x128xf32, #tpu.memory_space<hbm>>
        %dma_start3A_73 = tpu.memref_squeeze %dma_start3A_72 : memref<1x400x128xf32, #tpu.memory_space<hbm>> -> memref<400x128xf32, #tpu.memory_space<hbm>>
        %dma_start3A_74 = arith.constant 0 : i32
        %dma_start3A_75 = tpu.memref_slice %arg29[%mul3A_25, %dma_start3A_74] : memref<10000x128xf32, #tpu.memory_space<vmem_shared>> -> memref<400x128xf32, #tpu.memory_space<vmem_shared>>
        tpu.enqueue_dma source(%dma_start3A_75 : memref<400x128xf32, #tpu.memory_space<vmem_shared>>) target(%dma_start3A_73 : memref<400x128xf32, #tpu.memory_space<hbm>>) target_semaphore(%run_scoped3A_70 : memref<!tpu.dma_semaphore, #tpu.memory_space<semaphore_mem>>)
        %dma_wait3A_76 = arith.constant 0 : i32
        %dma_wait3A_77 = tpu.memref_slice %arg8[%arg0, %mul3A_25, %dma_wait3A_76] : memref<2x10000x128xf32, #tpu.memory_space<hbm>> -> memref<1x400x128xf32, #tpu.memory_space<hbm>>
        %dma_wait3A_78 = tpu.memref_squeeze %dma_wait3A_77 : memref<1x400x128xf32, #tpu.memory_space<hbm>> -> memref<400x128xf32, #tpu.memory_space<hbm>>
        %dma_wait3A_79 = arith.constant 0 : i32
        %dma_wait3A_80 = tpu.memref_slice %arg29[%mul3A_25, %dma_wait3A_79] : memref<10000x128xf32, #tpu.memory_space<vmem_shared>> -> memref<400x128xf32, #tpu.memory_space<vmem_shared>>
        tpu.wait_dma2 semaphore(%run_scoped3A_70 : memref<!tpu.dma_semaphore, #tpu.memory_space<semaphore_mem>>) src(%dma_wait3A_80 : memref<400x128xf32, #tpu.memory_space<vmem_shared>>) dst(%dma_wait3A_78 : memref<400x128xf32, #tpu.memory_space<hbm>>)
        tpu.yield
      }) : () -> ()
    } else {
    }
    return
  }
}

module attributes {stable_mosaic.version = 14 : i64} {
  func.func @body(%arg0: i32, %arg1: memref<1000x128xf32, #tpu.memory_space<vmem>>, %arg2: memref<1000x128xf32, #tpu.memory_space<vmem>>, %arg3: memref<128x128xf32, #tpu.memory_space<vmem>>, %arg4: memref<128xf32, #tpu.memory_space<vmem>>, %arg5: memref<128xf32, #tpu.memory_space<vmem>>, %arg6: memref<1000x128xf32, #tpu.memory_space<vmem>>, %arg7: memref<1x1x1000xf32, #tpu.memory_space<vmem>>, %arg8: memref<1x1x1000xf32, #tpu.memory_space<vmem>>, %arg9: memref<16xf32, #tpu.memory_space<vmem>>, %arg10: memref<1xf32, #tpu.memory_space<smem>>) attributes {dimension_semantics = [#tpu.dimension_semantics<arbitrary>], iteration_bounds = array<i64: 10>, scalar_prefetch = 0 : i64, scratch_operands = 1 : i64, tpu.core_type = #tpu.core_type<tc>, window_params = [{transform_indices = @transform_0, window_bounds = array<i64: 1000, 128>}, {transform_indices = @transform_1, window_bounds = array<i64: 1000, 128>}, {pipeline_mode = #tpu.pipeline_mode<synchronous>, transform_indices = @transform_2, window_bounds = array<i64: 128, 128>}, {pipeline_mode = #tpu.pipeline_mode<synchronous>, transform_indices = @transform_3, window_bounds = array<i64: 128>}, {pipeline_mode = #tpu.pipeline_mode<synchronous>, transform_indices = @transform_4, window_bounds = array<i64: 128>}, {transform_indices = @transform_5, window_bounds = array<i64: 1000, 128>}, {transform_indices = @transform_6, window_bounds = array<i64: 1, 1, 1000>}, {transform_indices = @transform_7, window_bounds = array<i64: 1, 1, 1000>}, {pipeline_mode = #tpu.pipeline_mode<synchronous>, transform_indices = @transform_8, window_bounds = array<i64: 16>}]} {
    %get3A = arith.constant 0 : index
    %get3A_0 = arith.constant 0 : index
    %get3A_1 = vector.load %arg1[%get3A, %get3A_0] : memref<1000x128xf32, #tpu.memory_space<vmem>>, vector<1000x128xf32>
    %get3A_2 = arith.constant 0 : index
    %get3A_3 = arith.constant 0 : index
    %get3A_4 = vector.load %arg2[%get3A_2, %get3A_3] : memref<1000x128xf32, #tpu.memory_space<vmem>>, vector<1000x128xf32>
    %add3A = arith.addf %get3A_1, %get3A_4 : vector<1000x128xf32>
    %get3A_5 = arith.constant 0 : index
    %get3A_6 = arith.constant 0 : index
    %get3A_7 = vector.load %arg3[%get3A_5, %get3A_6] : memref<128x128xf32, #tpu.memory_space<vmem>>, vector<128x128xf32>
    %dot_general3A = arith.constant dense<0.000000e+00> : vector<1000x128xf32>
    %dot_general3A_8 = tpu.matmul %add3A, %get3A_7, %dot_general3A {dimension_numbers = #tpu.dot_dimension_numbers<[1], [0], [0], [1], [0, 0, 1, 1], [], []>, transpose_lhs_hint = false} : vector<1000x128xf32>, vector<128x128xf32>, vector<1000x128xf32> -> vector<1000x128xf32>
    %swap3A = arith.constant 0 : index
    %swap3A_9 = arith.constant 0 : index
    %swap3A_10 = vector.load %arg6[%swap3A, %swap3A_9] : memref<1000x128xf32, #tpu.memory_space<vmem>>, vector<1000x128xf32>
    tpu.vector_store %arg6[%swap3A, %swap3A_9], %dot_general3A_8 {strides = array<i32>} : memref<1000x128xf32, #tpu.memory_space<vmem>>, vector<1000x128xf32>,
    %get3A_11 = arith.constant 0 : index
    %get3A_12 = vector.load %arg4[%get3A_11] : memref<128xf32, #tpu.memory_space<vmem>>, vector<128xf32>
    %broadcast_in_dim3A = vector.shape_cast %get3A_12 : vector<128xf32> to vector<1x128xf32>
    %mul3A = vector.broadcast %broadcast_in_dim3A : vector<1x128xf32> to vector<1000x128xf32>
    %mul3A_13 = arith.mulf %dot_general3A_8, %mul3A : vector<1000x128xf32>
    %reduce_sum3A = arith.constant dense<0.000000e+00> : vector<1000xf32>
    %reduce_sum3A_14 = vector.multi_reduction <add>, %mul3A_13, %reduce_sum3A [1] : vector<1000x128xf32> to vector<1000xf32>
    %get3A_15 = arith.constant 0 : index
    %get3A_16 = vector.load %arg5[%get3A_15] : memref<128xf32, #tpu.memory_space<vmem>>, vector<128xf32>
    %broadcast_in_dim3A_17 = vector.shape_cast %get3A_16 : vector<128xf32> to vector<1x128xf32>
    %mul3A_18 = vector.broadcast %broadcast_in_dim3A_17 : vector<1x128xf32> to vector<1000x128xf32>
    %mul3A_19 = arith.mulf %dot_general3A_8, %mul3A_18 : vector<1000x128xf32>
    %reduce_sum3A_20 = arith.constant dense<0.000000e+00> : vector<1000xf32>
    %reduce_sum3A_21 = vector.multi_reduction <add>, %mul3A_19, %reduce_sum3A_20 [1] : vector<1000x128xf32> to vector<1000xf32>
    %broadcast_in_dim3A_22 = vector.shape_cast %reduce_sum3A_14 : vector<1000xf32> to vector<1x1x1000xf32>
    %swap3A_23 = arith.constant 0 : index
    %swap3A_24 = arith.constant 0 : index
    %swap3A_25 = arith.constant 0 : index
    %swap3A_26 = vector.load %arg7[%swap3A_23, %swap3A_24, %swap3A_25] : memref<1x1x1000xf32, #tpu.memory_space<vmem>>, vector<1x1x1000xf32>
    tpu.vector_store %arg7[%swap3A_23, %swap3A_24, %swap3A_25], %broadcast_in_dim3A_22 {strides = array<i32>} : memref<1x1x1000xf32, #tpu.memory_space<vmem>>, vector<1x1x1000xf32>,
    %broadcast_in_dim3A_27 = vector.shape_cast %reduce_sum3A_21 : vector<1000xf32> to vector<1x1x1000xf32>
    %swap3A_28 = arith.constant 0 : index
    %swap3A_29 = arith.constant 0 : index
    %swap3A_30 = arith.constant 0 : index
    %swap3A_31 = vector.load %arg8[%swap3A_28, %swap3A_29, %swap3A_30] : memref<1x1x1000xf32, #tpu.memory_space<vmem>>, vector<1x1x1000xf32>
    tpu.vector_store %arg8[%swap3A_28, %swap3A_29, %swap3A_30], %broadcast_in_dim3A_27 {strides = array<i32>} : memref<1x1x1000xf32, #tpu.memory_space<vmem>>, vector<1x1x1000xf32>,
    %reduce_max3A = vector.shape_cast %reduce_sum3A_14 : vector<1000xf32> to vector<1x1000xf32>
    %reduce_max3A_32 = arith.constant dense<0xFF800000> : vector<1xf32>
    %reduce_max3A_33 = vector.multi_reduction <maximumf>, %reduce_max3A, %reduce_max3A_32 [1] : vector<1x1000xf32> to vector<1xf32>
    %reduce_max3A_34 = vector.shape_cast %reduce_max3A_33 : vector<1xf32> to vector<1x1xf32>
    %reduce_max3A_35 = vector.extract %reduce_max3A_34[0, 0] : f32 from vector<1x1xf32>
    %eq3A = arith.constant 0 : i32
    %eq3A_36 = arith.cmpi eq, %arg0, %eq3A : i32
    %convert_element_type3A = arith.extui %eq3A_36 : i1 to i32
    %cond3A = arith.constant 0 : i32
    %cond3A_37 = arith.cmpi ne, %convert_element_type3A, %cond3A : i32
    scf.if %cond3A_37 {
      %swap3A_47 = arith.constant 0 : index
      %swap3A_48 = memref.load %arg10[%swap3A_47] : memref<1xf32, #tpu.memory_space<smem>>
      memref.store %reduce_max3A_35, %arg10[%swap3A_47] : memref<1xf32, #tpu.memory_space<smem>>
    } else {
    }
    %gt3A = arith.constant 0 : i32
    %gt3A_38 = arith.cmpi sgt, %arg0, %gt3A : i32
    %convert_element_type3A_39 = arith.extui %gt3A_38 : i1 to i32
    %cond3A_40 = arith.constant 0 : i32
    %cond3A_41 = arith.cmpi ne, %convert_element_type3A_39, %cond3A_40 : i32
    scf.if %cond3A_41 {
      %get3A_47 = arith.constant 0 : index
      %get3A_48 = memref.load %arg10[%get3A_47] : memref<1xf32, #tpu.memory_space<smem>>
      %max3A = arith.maximumf %get3A_48, %reduce_max3A_35 : f32
      %swap3A_49 = arith.constant 0 : index
      %swap3A_50 = memref.load %arg10[%swap3A_49] : memref<1xf32, #tpu.memory_space<smem>>
      memref.store %max3A, %arg10[%swap3A_49] : memref<1xf32, #tpu.memory_space<smem>>
    } else {
    }
    %get3A_42 = arith.constant 0 : index
    %get3A_43 = memref.load %arg10[%get3A_42] : memref<1xf32, #tpu.memory_space<smem>>
    %broadcast_in_dim3A_44 = vector.broadcast %get3A_43 : f32 to vector<16xf32>
    %swap3A_45 = arith.constant 0 : index
    %swap3A_46 = vector.load %arg9[%swap3A_45] : memref<16xf32, #tpu.memory_space<vmem>>, vector<16xf32>
    tpu.vector_store %arg9[%swap3A_45], %broadcast_in_dim3A_44 {strides = array<i32>} : memref<16xf32, #tpu.memory_space<vmem>>, vector<16xf32>,
    return
  }
  func.func @transform_0(%arg0: i32) -> (i32, i32) {
    %c0_i32 = arith.constant 0 : i32
    %c0_i32_0 = arith.constant 0 : i32
    return %arg0, %c0_i32 : i32, i32
  }
  func.func @transform_1(%arg0: i32) -> (i32, i32) {
    %c0_i32 = arith.constant 0 : i32
    %c0_i32_0 = arith.constant 0 : i32
    return %arg0, %c0_i32 : i32, i32
  }
  func.func @transform_2(%arg0: i32) -> (i32, i32) {
    %c0_i32 = arith.constant 0 : i32
    %c0_i32_0 = arith.constant 0 : i32
    %c0_i32_1 = arith.constant 0 : i32
    return %c0_i32, %c0_i32_0 : i32, i32
  }
  func.func @transform_3(%arg0: i32) -> i32 {
    %c0_i32 = arith.constant 0 : i32
    %c0_i32_0 = arith.constant 0 : i32
    return %c0_i32 : i32
  }
  func.func @transform_4(%arg0: i32) -> i32 {
    %c0_i32 = arith.constant 0 : i32
    %c0_i32_0 = arith.constant 0 : i32
    return %c0_i32 : i32
  }
  func.func @transform_5(%arg0: i32) -> (i32, i32) {
    %c0_i32 = arith.constant 0 : i32
    %c0_i32_0 = arith.constant 0 : i32
    return %arg0, %c0_i32 : i32, i32
  }
  func.func @transform_6(%arg0: i32) -> (i32, i32, i32) {
    %c0_i32 = arith.constant 0 : i32
    %c0_i32_0 = arith.constant 0 : i32
    %c0_i32_1 = arith.constant 0 : i32
    return %arg0, %c0_i32, %c0_i32_0 : i32, i32, i32
  }
  func.func @transform_7(%arg0: i32) -> (i32, i32, i32) {
    %c0_i32 = arith.constant 0 : i32
    %c0_i32_0 = arith.constant 0 : i32
    %c0_i32_1 = arith.constant 0 : i32
    return %arg0, %c0_i32, %c0_i32_0 : i32, i32, i32
  }
  func.func @transform_8(%arg0: i32) -> i32 {
    %c0_i32 = arith.constant 0 : i32
    %c0_i32_0 = arith.constant 0 : i32
    return %c0_i32 : i32
  }
}

module attributes {stable_mosaic.version = 14 : i64} {
  func.func @body(%arg0: i32, %arg1: memref<2x1000x128xf32, #tpu.memory_space<vmem>>, %arg2: memref<1000x2xf32, #tpu.memory_space<vmem>>, %arg3: memref<1000x128xf32, #tpu.memory_space<vmem>>) attributes {dimension_semantics = [#tpu.dimension_semantics<arbitrary>], iteration_bounds = array<i64: 10>, scalar_prefetch = 0 : i64, scratch_operands = 0 : i64, tpu.core_type = #tpu.core_type<tc>, window_params = [{transform_indices = @transform_0, window_bounds = array<i64: 2, 1000, 128>}, {transform_indices = @transform_1, window_bounds = array<i64: 1000, 2>}, {transform_indices = @transform_2, window_bounds = array<i64: 1000, 128>}]} {
    %get3A = arith.constant 0 : index
    %get3A_0 = arith.constant 0 : index
    %get3A_1 = vector.load %arg2[%get3A, %get3A_0] : memref<1000x2xf32, #tpu.memory_space<vmem>>, vector<1000x1xf32>
    %get3A_2 = vector.shape_cast %get3A_1 : vector<1000x1xf32> to vector<1000xf32>
    %get3A_3 = arith.constant 0 : index
    %get3A_4 = arith.constant 1 : index
    %get3A_5 = vector.load %arg2[%get3A_3, %get3A_4] : memref<1000x2xf32, #tpu.memory_space<vmem>>, vector<1000x1xf32>
    %get3A_6 = vector.shape_cast %get3A_5 : vector<1000x1xf32> to vector<1000xf32>
    %add3A = arith.addf %get3A_2, %get3A_6 : vector<1000xf32>
    %add3A_7 = arith.constant 1.000000e-16 : f32
    %add3A_8 = vector.broadcast %add3A_7 : f32 to vector<1000xf32>
    %add3A_9 = arith.addf %add3A, %add3A_8 : vector<1000xf32>
    %get3A_10 = arith.constant 0 : index
    %get3A_11 = arith.constant 0 : index
    %get3A_12 = arith.constant 0 : index
    %get3A_13 = vector.load %arg1[%get3A_10, %get3A_11, %get3A_12] : memref<2x1000x128xf32, #tpu.memory_space<vmem>>, vector<1x1000x128xf32>
    %get3A_14 = vector.shape_cast %get3A_13 : vector<1x1000x128xf32> to vector<1000x128xf32>
    %get3A_15 = arith.constant 1 : index
    %get3A_16 = arith.constant 0 : index
    %get3A_17 = arith.constant 0 : index
    %get3A_18 = vector.load %arg1[%get3A_15, %get3A_16, %get3A_17] : memref<2x1000x128xf32, #tpu.memory_space<vmem>>, vector<1x1000x128xf32>
    %get3A_19 = vector.shape_cast %get3A_18 : vector<1x1000x128xf32> to vector<1000x128xf32>
    %add3A_20 = arith.addf %get3A_14, %get3A_19 : vector<1000x128xf32>
    %broadcast_in_dim3A = vector.shape_cast %add3A_9 : vector<1000xf32> to vector<1000x1xf32>
    %div3A = vector.broadcast %broadcast_in_dim3A : vector<1000x1xf32> to vector<1000x128xf32>
    %div3A_21 = arith.divf %add3A_20, %div3A : vector<1000x128xf32>
    %swap3A = arith.constant 0 : index
    %swap3A_22 = arith.constant 0 : index
    %swap3A_23 = vector.load %arg3[%swap3A, %swap3A_22] : memref<1000x128xf32, #tpu.memory_space<vmem>>, vector<1000x128xf32>
    tpu.vector_store %arg3[%swap3A, %swap3A_22], %div3A_21 {strides = array<i32>} : memref<1000x128xf32, #tpu.memory_space<vmem>>, vector<1000x128xf32>,
    return
  }
  func.func @transform_0(%arg0: i32) -> (i32, i32, i32) {
    %c0_i32 = arith.constant 0 : i32
    %c0_i32_0 = arith.constant 0 : i32
    %c0_i32_1 = arith.constant 0 : i32
    return %c0_i32, %arg0, %c0_i32_0 : i32, i32, i32
  }
  func.func @transform_1(%arg0: i32) -> (i32, i32) {
    %c0_i32 = arith.constant 0 : i32
    %c0_i32_0 = arith.constant 0 : i32
    return %arg0, %c0_i32 : i32, i32
  }
  func.func @transform_2(%arg0: i32) -> (i32, i32) {
    %c0_i32 = arith.constant 0 : i32
    %c0_i32_0 = arith.constant 0 : i32
    return %arg0, %c0_i32 : i32, i32
  }
}

</mosaic_0001>

<sc_bundles>
// kernel: kernel.5.cloned.1.call-start
scs
__scs_entry_jumppad:
0x0: {  	(pc) =	sbr.rel $0x88, $3  }
0x1: {  	(tag) =	ssettag $0x0;
	lr =	simm.s32 $0x1  }
0x2: {  	[smem:$0x3F9B] =	sst lr;
	_ =	strace $0xD0000000  }
0x3: {  	_ = 	snop  }
0x4: {  	_ = 	snop  }
0x5: {  	_ = 	snop  }
0x6: {  	_ = 	snop  }
0x7: {  	_ = 	snop  }
__scs_overlays_trampoline_lowered:
0x8: {  	[smem:$0x3FAA] =	sst s0  }
0x9: {  	[smem:$0x3FAB] =	sst s1  }
0xa: {  	[smem:$0x3FAC] =	sst s2  }
0xb: {  	[smem:$0x3FAD] =	sst s3  }
0xc: {  	[smem:$0x3FAE] =	sst s4  }
0xd: {  	[smem:$0x3FAF] =	sst s5  }
0xe: {  	[smem:$0x3FB0] =	sst s6  }
0xf: {  	[smem:$0x3FB1] =	sst s7  }
0x10: {  	[smem:$0x3FB2] =	sst s8  }
0x11: {  	[smem:$0x3FB3] =	sst s9;
	s0 =	simm.s32 @!p0 $0x0  }
0x12: {  	s1 =	sld [smem:$0x3F99];
	s0 =	simm.s32 @p0 $0x1  }
0x13: {  	[smem:$0x3FB4] =	sst s0;
	s0 =	simm.s32 @!p1 $0x0  }
0x14: {  	s2 =	sld [smem:$0x3F98];
	s0 =	simm.s32 @p1 $0x1  }
0x15: {  	[smem:$0x3FB5] =	sst s0;
	s0 =	simm.s32 @!p2 $0x0  }
0x16: {  	s3 =	sld [smem:$0x3FDB];
	s0 =	simm.s32 @p2 $0x1  }
0x17: {  	s4 =	simm.s32 $0x1BF5;
	[smem:$0x3FB7] =	sst s0  }
0x18: {  	s0 =	sld [smem:$0x3F9A];
	_ =	swait.ge [sflag:s4], $0x0  }
0x19: {  	s7 =	sld [smem:$0x3F9B]  }
0x1a: {  	s8 =	sadd.s32 $0xFFFFE003, lr  }
0x1b: {  	s9 =	sadd.s32 $0xFFFFFEF7, lr;
	s5 =	simm.s32 $0xFFFFFFFF;
	p2 =	slt.u32 s8, $0xFFFFF086  }
0x1c: {  	p1 =	slt.u32 s9, $0xF7A;
	s5 =	simm.s32 @!p2 $0x0  }
0x1d: {  	s5 =	simm.s32 @p1 $0x1;
	p0 =	seq.s32 s7, s2  }
0x1e: {  	s7 =	smul.u32 @!p0 $0xF7A, s2;
	p2 =	seq.s32 @!p0 s5, $0x0  }
0x1f: {  	s9 =	smul.u32 $0xF7A, s1;
	s8 =	simm.s32 @!p0 $0x1BF5;
	p2 =	por !p2, p0  }
0x20: {  	[sflag:s8] =	ssyncset.s32 @!p0 $0xFFFFF086;
	s6 =	sadd.s32 @!p0 s3, s7;
	s7 =	simm.s32 @!p0 $0x108  }
0x21: {  	s3 =	sadd.s32 s3, s9;
	s6 =	sadd.s32 @!p0 $0x88, s6;
	s7 =	simm.s32 @p2 $0x1082  }
0x22: {  	[simem:s7], [sflag:s8] =	dma.local @!p0 [hbm:s6], $0xF7A  }
0x23: {  	s9 =	sor.u32 $0xD0000000, s2;
	s6 =	simm.s32 $0x108;
	_ =	swait.ge @!p0 [sflag:s8], $0x0  }
0x24: {  	s3 =	sadd.s32 $0x88, s3;
	s6 =	simm.s32 @!p1 $0x1082;
	[sflag:s4] =	ssyncset.s32 $0xFFFFF086  }
0x25: {  	[simem:s6], [sflag:s4] =	dma.local [hbm:s3], $0xF7A  }
0x26: {  	[smem:$0x3F9B] =	sst s1;
	(tag) =	ssettag s2;
	_ =	strace s9  }
0x27: {  	s1 =	sld [smem:$0x3FAB]  }
0x28: {  	s2 =	sld [smem:$0x3FAC]  }
0x29: {  	s4 =	sld [smem:$0x3FAE]  }
0x2a: {  	p0 =	seq.s32 s5, $0x0;
	s5 =	sld [smem:$0x3FAF]  }
0x2b: {  	s6 =	sld [smem:$0x3FB0]  }
0x2c: {  	s7 =	sld [smem:$0x3FB1]  }
0x2d: {  	s3 =	simm.s32 $0x108;
	s8 =	sld [smem:$0x3FB2]  }
0x2e: {  	s3 =	simm.s32 @!p0 $0x1082;
	s9 =	sld [smem:$0x3FB3]  }
0x2f: {  	lr =	sadd.s32 s0, s3;
	s0 =	sld [smem:$0x3FAA]  }
0x30: {  	s3 =	sld [smem:$0x3FAD]  }
0x31: {  	[smem:$0x3FB6] =	sst s10  }
0x32: {  	s10 =	sld [smem:$0x3FB4];
	_ =	sdelay $0x3  }
0x33: {  	p0 =	seq.s32 s10, $0x1;
	s10 =	sld [smem:$0x3FB6];
	_ =	sdelay $0x3  }
0x34: {  	[smem:$0x3FB6] =	sst s10  }
0x35: {  	s10 =	sld [smem:$0x3FB5];
	_ =	sdelay $0x3  }
0x36: {  	p1 =	seq.s32 s10, $0x1;
	s10 =	sld [smem:$0x3FB6];
	_ =	sdelay $0x3  }
0x37: {  	[smem:$0x3FB6] =	sst s10  }
0x38: {  	s10 =	sld [smem:$0x3FB7]  }
0x39: {  	_ = 	snop;
	(pc) =	sbr.ind lr, $3  }
0x3a: {  	_ = 	snop  }
0x3b: {  	_ = 	snop  }
0x3c: {  	p2 =	seq.s32 s10, $0x1;
	s10 =	sld [smem:$0x3FB6]  }
0x3d: {  	_ =	shalt  }
0x3e: {  	_ =	shalt  }
0x3f: {  	_ =	shalt  }
0x40: {  	_ =	shalt  }
0x41: {  	_ =	shalt  }
0x42: {  	_ =	shalt  }
0x43: {  	_ =	shalt  }
0x44: {  	_ =	shalt  }
0x45: {  	_ =	shalt  }
0x46: {  	_ =	shalt  }
0x47: {  	_ =	shalt  }
0x48: {  	_ =	shalt  }
0x49: {  	_ =	shalt  }
0x4a: {  	_ =	shalt  }
0x4b: {  	_ =	shalt  }
0x4c: {  	_ =	shalt  }
0x4d: {  	_ =	shalt  }
0x4e: {  	_ =	shalt  }
0x4f: {  	_ =	shalt  }
0x50: {  	_ =	shalt  }
0x51: {  	_ =	shalt  }
0x52: {  	_ =	shalt  }
0x53: {  	_ =	shalt  }
0x54: {  	_ =	shalt  }
0x55: {  	_ =	shalt  }
0x56: {  	_ =	shalt  }
0x57: {  	_ =	shalt  }
0x58: {  	_ =	shalt  }
0x59: {  	_ =	shalt  }
0x5a: {  	_ =	shalt  }
0x5b: {  	_ =	shalt  }
0x5c: {  	_ =	shalt  }
0x5d: {  	_ =	shalt  }
0x5e: {  	_ =	shalt  }
0x5f: {  	_ =	shalt  }
0x60: {  	_ =	shalt  }
0x61: {  	_ =	shalt  }
0x62: {  	_ =	shalt  }
0x63: {  	_ =	shalt  }
0x64: {  	_ =	shalt  }
0x65: {  	_ =	shalt  }
0x66: {  	_ =	shalt  }
0x67: {  	_ =	shalt  }
0x68: {  	_ =	shalt  }
0x69: {  	_ =	shalt  }
0x6a: {  	_ =	shalt  }
0x6b: {  	_ =	shalt  }
0x6c: {  	_ =	shalt  }
0x6d: {  	_ =	shalt  }
0x6e: {  	_ =	shalt  }
0x6f: {  	_ =	shalt  }
0x70: {  	_ =	shalt  }
0x71: {  	_ =	shalt  }
0x72: {  	_ =	shalt  }
0x73: {  	_ =	shalt  }
0x74: {  	_ =	shalt  }
0x75: {  	_ =	shalt  }
0x76: {  	_ =	shalt  }
0x77: {  	_ =	shalt  }
0x78: {  	_ =	shalt  }
0x79: {  	_ =	shalt  }
0x7a: {  	_ =	shalt  }
0x7b: {  	_ =	shalt  }
0x7c: {  	_ =	shalt  }
0x7d: {  	_ =	shalt  }
0x7e: {  	_ =	shalt  }
0x7f: {  	_ =	shalt  }
0x80: {  	_ =	shalt  }
0x81: {  	_ =	shalt  }
0x82: {  	_ =	shalt  }
0x83: {  	_ =	shalt  }
0x84: {  	_ =	shalt  }
0x85: {  	_ =	shalt  }
0x86: {  	_ =	shalt  }
0x87: {  	_ =	shalt  }
.Lfunc_end0:
.L_simem_size_0:
called_computation_lowered:
.L_overlay_start_0:
0x88: {  	s2 =	sld [smem:$0x3FD9]  }
0x89: {  	s3 =	sld [smem:$0x3FFE];
	_ =	sdelay $0x1  }
0x8a: {  	s1 =	srdreg.scid  }
0x8b: {  	s0 =	sand.u32 $0x1, s1  }
0x8c: {  	s17 =	sshll.u32 s0, $0xA;
	s2 =	sadd.s32 s3, s2  }
0x8d: {  	s2 =	sadd.s32 s2, s17  }
0x8e: {  	[smem:$0x3FC2] =	sst s2  }
0x8f: {  	_ = 	snop  }
0x90: {  	s2 =	sld [smem:$0x3FD0];
	(tm) =	ssettm $0x1  }
0x91: {  	s18 =	sld [smem:$0x3FFB];
	_ =	sdelay $0x3  }
0x92: {  	_ =	strace s18  }
0x93: {  	s3 =	sld [smem:$0x3FFC];
	_ =	sdelay $0x3  }
0x94: {  	_ =	strace s3  }
0x95: {  	s3 =	sld [smem:$0x3FFD];
	_ =	sdelay $0x3  }
0x96: {  	_ =	strace s3  }
0x97: {  	_ =	strace $0x8FFFFFFF  }
0x98: {  	s19 =	sld [smem:$0x3FDB];
	_ =	sdelay $0x1  }
0x99: {  	s4 =	simm.s32 $_scs_section_size  }
0x9a: {  	s5 =	simm.s32 $_size__tile_overlayer_lowered;
	s6 =	simm.s32 $_tile_overlayer_lowered  }
0x9b: {  	s22 =	simm.s32 $0x1BFF;
	s21 =	sshll.u32 s6, $0x1;
	s3 =	sadd.s32 s4, s19  }
0x9c: {  	s7 =	simm.s32 $0x0;
	s20 =	sshll.u32 s5, $0x1;
	s5 =	sadd.s32 s21, s3  }
0x9d: {  	[timem:s7], [sflag:s22] =	dma.local [hbm:s5], s20  }
0x9e: {  	_ =	swait.ge [sflag:s22], s20  }
0x9f: {  	s4 =	ssub.s32 $0x0, s20;
	[sflag:s22] =	ssyncset.done $0x0  }
0xa0: {  	[sflag:s22] =	ssyncadd.s32 s4;
	_ =	sdelay $0x1  }
0xa1: {  	s23 =	simm.s32 $0x1B8B  }
0xa2: {  	_ =	swait.ge [sflag:s23], $0x1  }
0xa3: {  	[sflag:s23] =	ssyncset.done $0x0  }
0xa4: {  	s25 =	simm.s32 $0x1B8E;
	s24 =	sld [smem:$0x3FFE];
	[sflag:s23] =	ssyncadd.s32 $0xFFFFFFFF  }
0xa5: {  	s26 =	simm.s32 $execute0_lowered;
	[smem:$0x3FD2] =	sst s25  }
0xa6: {  	s5 =	sshll.u32 s26, $0x1;
	_ =	strace $0x80000046;
	[dreg:$0x1] =	wrdreg $0xFFFFFFFF  }
0xa7: {  	s28 =	simm.s32 $_size_execute0_lowered;
	s3 =	sadd.s32 s3, s5;
	[dreg:$0x0] =	wrdreg $0x0  }
0xa8: {  	s5 =	sshll.u32 s28, $0x1;
	[dreg:$0x2] =	wrdreg s3  }
0xa9: {  	[dreg:$0x3] =	wrdreg s5  }
0xaa: {  	[dreg:$0x4] =	wrdreg $0xC0  }
0xab: {  	_ =	task [dreg:s7], $0x5FFFF  }
0xac: {  	[dreg:$0x1] =	wrdreg $0xFFFFFFFF  }
0xad: {  	[dreg:$0x0] =	wrdreg $0x60  }
0xae: {  	[dreg:$0x2] =	wrdreg s24  }
0xaf: {  	[dreg:$0x3] =	wrdreg s2  }
0xb0: {  	[dreg:$0x4] =	wrdreg $0xB6800  }
0xb1: {  	[dreg:$0x5] =	wrdreg $0xB4000  }
0xb2: {  	[dreg:$0x6] =	wrdreg $0x9  }
0xb3: {  	_ =	task.clear_ibuf [dreg:s7], $0x7FFFF;
	_ =	strace $0x90000046  }
0xb4: {  	s29 =	simm.s32 $0x9;
	_ =	strace $0x80000048  }
0xb5: {  	_ =	swait.ge [sflag:s29], $0x1  }
0xb6: {  	[sflag:s29] =	ssyncadd.s32 $0xFFFFFFFF  }
0xb7: {  	_ =	strace $0x90000048  }
0xb8: {  	_ =	sfence  }
0xb9: {  	s30 =	sld [smem:$0x0];
	_ =	sdelay $0x2  }
0xba: {  	s31 =	sshll.u32 s1, $0xD;
	s1 =	sshrl.u32 s1, $0x2  }
0xbb: {  	s3 =	sand.u32 $0x4000, s31;
	s1 =	sadd.s32 s1, s30  }
0xbc: {  	s0 =	sor.u32 s3, s0;
	s1 =	sshll.u32 s1, $0x11  }
0xbd: {  	s0 =	sor.u32 s1, s0  }
0xbe: {  	s0 =	sadd.s32 $0x8F2B, s0  }
0xbf: {  	[sflag:s0] =	ssyncadd.remote.s32 $0x1  }
0xc0: {  	_ =	sfence.sel $0xFFFF  }
0xc1: {  	[dreg:$0x0] =	wrdreg $0xFFFFFFFF;
	(pc) =	sbr.abs _section_cstart, $3  }
0xc2: {  	[dreg:$0x1] =	wrdreg $0xFFFFFFFF  }
0xc3: {  	_ =	task.clear_ibuf [dreg:s7], $0x2FFFF;
	_ =	strace $0x9FFFFFFF  }
0xc4: {  	(tm) =	ssettm $0x7FFFFFFF  }
0xc5: {  	_ =	shalt  }
tec
execute0_lowered:
.L_overlay_start_1:
0x0: {  	(tag) =	ssettag $0x1  }
0x1: {  	s0 =	rddreg [dreg:$0x0]  }
0x2: {  	s1 =	rddreg [dreg:$0x1]  }
0x3: {  	s2 =	rddreg [dreg:$0x2]  }
0x4: {  	s4 =	rddreg [dreg:$0x3];
	s5 =	simm.s32 $0x0;
	s3 =	srdreg.scid  }
0x5: {  	s12 =	stileid.u32;
	s28 =	simm.s32 $0x7;
	s29 =	simm.s32 $0x3780  }
0x6: {  	s30 =	simm.s32 $0x50;
	s31 =	simm.s32 $0x6080;
	[smem:$0x7FF] =	sst s5  }
0x7: {  	s3 =	sand.u32 $0x1, s3;
	s14 =	smul.u32 $0x280, s12;
	s6 =	sadd.s32 $0xA400, s0  }
0x8: {  	s7 =	sadd.s32 $0x600, s0;
	s9 =	sadd.s32 $0x14400, s0;
	s16 =	sadd.s32 $0x14A00, s0  }
0x9: {  	s17 =	sadd.s32 $0x14200, s0;
	s18 =	smul.u32 $0x50000, s12;
	s10 =	sadd.s32 $0x15A00, s0  }
0xa: {  	s22 =	smul.u32 $0x14000, s12;
	_ =	strace $0x80000047;
	[dreg:$0x5] =	wrdreg s9  }
0xb: {  	p0 =	seq.s32 s12, $0xF;
	s8 =	smul.u32 $0x2800, s3;
	[dreg:$0x6] =	wrdreg s16  }
0xc: {  	[dreg:$0x7] =	wrdreg s17;
	s11 =	ssub.s32 $0x2, s3;
	s20 =	smul.u32 $0x138800, s3  }
0xd: {  	s3 =	sshll.u32 s3, $0x4;
	s19 =	sshrl.u32 s11, $0x1;
	s9 =	sshrl.u32 s18, $0x2  }
0xe: {  	s16 =	sadd.s32 s14, s4;
	s3 =	sor.u32 s12, s3;
	s12 =	simm.s32 $0x0  }
0xf: {  	s8 =	sadd.s32 s14, s8;
	s15 =	sadd.s32 s9, s2;
	s5 =	sadd.s32 s22, s20  }
0x10: {  	s9 =	sshrl.u32 s20, $0x3;
	s22 =	smul.u32 $0x2710, s3;
	s3 =	simm.s32 $0x5F80  }
0x11: {  	[dreg:$0x9] =	wrdreg s16;
	s8 =	sshrl.u32 s8, $0x3;
	s21 =	sadd.s32 $0x2800, s15  }
0x12: {  	s23 =	sadd.s32 $0x5000, s15;
	s13 =	sadd.s32 $0x7800, s15;
	s14 =	sadd.s32 $0xA000, s15  }
0x13: {  	s17 =	sadd.s32 $0xC800, s15;
	s18 =	sadd.s32 $0xF000, s15;
	s5 =	sshrl.u32 s5, $0x3  }
0x14: {  	s24 =	sadd.s32 s10, s9;
	s9 =	sadd.s32 $0x131000, s2;
	[dreg:$0x8] =	wrdreg s15  }
0x15: {  	s0 =	sadd.s32 s8, s0;
	s8 =	ssub.s32 s11, s19;
	[dreg:$0xa] =	wrdreg s21  }
0x16: {  	[dreg:$0xb] =	wrdreg s23;
	s11 =	sadd.s32 $0x12E800, s2;
	s5 =	sadd.s32 s10, s5  }
0x17: {  	s10 =	sadd.s32 $0x11800, s15;
	s17 =	smov.u32 @p0 s9;
	s9 =	sadd.s32 $0x133800, s2  }
0x18: {  	s25 =	sadd.s32 $0x25800, s24;
	s19 =	simm.s32 $0x5;
	[dreg:$0x10] =	wrdreg s5  }
0x19: {  	s23 =	simm.s32 $0x1;
	s21 =	simm.s32 $0x2;
	[dreg:$0xe] =	wrdreg s17  }
0x1a: {  	s14 =	smov.u32 @p0 s11;
	s18 =	smov.u32 @p0 s9;
	[dreg:$0x14] =	wrdreg s25  }
0x1b: {  	s9 =	sadd.s32 $0x136000, s2;
	s0 =	sadd.s32 $0x15000, s0;
	[dreg:$0xd] =	wrdreg s14  }
0x1c: {  	s26 =	smax.u32 s8, $0x1;
	s8 =	simm.s32 $0x6100;
	[dreg:$0xf] =	wrdreg s18  }
.Ltmp0:
0x1d: {  	s10 =	smov.u32 @p0 s9;
	[dreg:$0x13] =	wrdreg s0;
	(pc) =	sbr.rel .LBB2_1-.Ltmp0, $4  }
0x1e: {  	s9 =	sadd.s32 $0x12C000, s2;
	[dreg:$0x15] =	wrdreg s26;
	s26 =	simm.s32 $0x1000  }
0x1f: {  	s0 =	simm.s32 $0x6180;
	s14 =	simm.s32 $0x3;
	[dreg:$0x11] =	wrdreg s10  }
0x20: {  	[dreg:$0x12] =	wrdreg s9;
	s13 =	smov.u32 @p0 s9;
	s9 =	simm.s32 $0x8980  }
0x21: {  	v0 =	vimm.f32 $0.0e+00;
	v1 =	vimm.s32 $0x0;
	s10 =	simm.s32 $0x6000;
	[dreg:$0xc] =	wrdreg s13;
	s13 =	simm.s32 $0x800  }
.LBB2_14:
0x22: {  	_ =	swait.ge [sflag:s14], $0x2800  }
0x23: {  	[sflag:s14] =	ssyncset.done $0x0  }
0x24: {  	[sflag:s14] =	ssyncadd.s32 $0xFFFFD800  }
0x25: {  	_ =	swait.ge [sflag:s19], $0x50  }
0x26: {  	[sflag:s19] =	ssyncset.done $0x0  }
0x27: {  	s5 =	simm.s32 $0x4;
	[sflag:s19] =	ssyncadd.s32 $0xFFFFFFB0  }
0x28: {  	_ =	swait.ge [sflag:s5], $0x2800  }
0x29: {  	[sflag:s5] =	ssyncset.done $0x0  }
0x2a: {  	s18 =	simm.s32 $0x6;
	[sflag:s5] =	ssyncadd.s32 $0xFFFFD800  }
0x2b: {  	_ =	swait.ge [sflag:s18], $0x50  }
0x2c: {  	[sflag:s18] =	ssyncset.done $0x0  }
0x2d: {  	[sflag:s18] =	ssyncadd.s32 $0xFFFFFFB0  }
0x2e: {  	s20 =	stileid.u32;
	[bflag:$0x0] =	sbarrier.arrive $0xFFFF  }
0x2f: {  	s5 =	sshll.u32 s20, $0x6;
	s16 =	rddreg [dreg:$0x9]  }
0x30: {  	s5 =	sor.u32 $0x1C07, s5;
	s12 =	rddreg [dreg:$0x13];
	s11 =	sshrl.u32 s16, $0x3  }
0x31: {  	[hbm:s12], [sflag:s5] =	dma.local [spmem:s11], $0x50  }
0x32: {  	_ =	swait.ge [sflag:s28], $0x50  }
0x33: {  	[sflag:s28] =	ssyncset.done $0x0;
	s11 =	rddreg [dreg:$0x12]  }
0x34: {  	s12 =	rddreg [dreg:$0x14];
	[sflag:s28] =	ssyncadd.s32 $0xFFFFFFB0;
	s11 =	sshrl.u32 @p0 s11, $0x3  }
0x35: {  	[hbm:s12], [sflag:s5] =	dma.local @p0 [spmem:s11], $0x1900  }
0x36: {  	s11 =	simm.s32 @p0 $0x7  }
0x37: {  	_ =	swait.ge @p0 [sflag:s11], $0x1900  }
0x38: {  	[sflag:s11] =	ssyncset.done @p0 $0x0;
	s15 =	rddreg [dreg:$0x8]  }
0x39: {  	s12 =	rddreg [dreg:$0x10];
	[sflag:s11] =	ssyncadd.s32 @p0 $0xFFFFE700;
	s11 =	sshrl.u32 @!p0 s15, $0x3  }
0x3a: {  	[hbm:s12], [sflag:s5] =	dma.local @!p0 [spmem:s11], $0x2800  }
0x3b: {  	s5 =	simm.s32 @!p0 $0x7  }
0x3c: {  	_ =	swait.ge @!p0 [sflag:s5], $0x2800  }
0x3d: {  	s24 =	rddreg [dreg:$0x16]  }
0x3e: {  	s25 =	rddreg [dreg:$0x15];
	s12 =	sadd.s32 $0x1, s24  }
0x3f: {  	p1 =	sne.s32 s12, s25  }
.Ltmp1:
0x40: {  	_ = 	snop;
	(pc) =	sbr.rel @!p1 .LBB2_15-.Ltmp1, $3  }
0x41: {  	_ =	sdelay $0x1  }
0x42: {  	[sflag:s5] =	ssyncset.done @!p0 $0x0  }
0x43: {  	[sflag:s5] =	ssyncadd.s32 @!p0 $0xFFFFD800  }
.LBB2_1:
0x44: {  	[dreg:$0x16] =	wrdreg s12  }
0x45: {  	s5 =	simm.s32 $0x0;
	s11 =	rddreg [dreg:$0x5]  }
0x46: {  	[tilespmem:s26], [sflag:$0x7] =	stream.linear.gather [hbm4b:s11+s5], $0x2780, $0x38;
	[tilespmem:$0x1EF00] =	vst v63  }
0x47: {  	_ =	swait.ge [sflag:s28], $0x2780  }
0x48: {  	[sflag:s28] =	ssyncset.done $0x0  }
0x49: {  	s20 =	rddreg [dreg:$0x6];
	[sflag:s28] =	ssyncadd.s32 $0xFFFFD880  }
0x4a: {  	[tilespmem:s29], [sflag:$0x7] =	stream.linear.gather [hbm4b:s20+s5], $0x2780, $0x38;
	[tilespmem:$0x1EF00] =	vst v63  }
0x4b: {  	_ =	swait.ge [sflag:s28], $0x2780  }
0x4c: {  	[sflag:s28] =	ssyncset.done $0x0  }
0x4d: {  	s25 =	simm.s32 $0x5F00;
	s24 =	rddreg [dreg:$0x7];
	[sflag:s28] =	ssyncadd.s32 $0xFFFFD880  }
0x4e: {  	[tilespmem:s25], [sflag:$0x7] =	stream.linear.gather [hbm4b:s24+s5], $0x80, $0x38;
	[tilespmem:$0x1EF00] =	vst v63  }
0x4f: {  	_ =	swait.ge [sflag:s28], $0x80  }
0x50: {  	[sflag:s28] =	ssyncset.done $0x0  }
0x51: {  	[sflag:s28] =	ssyncadd.s32 $0xFFFFFF80  }
0x52: {  	[tilespmem:$0xB180] =	vst v0  }
0x53: {  	[tilespmem:$0xB190] =	vst v0  }
0x54: {  	[tilespmem:$0xB1A0] =	vst v0  }
0x55: {  	[tilespmem:$0xB1B0] =	vst v0  }
0x56: {  	[tilespmem:$0xB1C0] =	vst v0  }
0x57: {  	[tilespmem:$0xB1D0] =	vst v0  }
0x58: {  	[tilespmem:$0xB1E0] =	vst v0  }
0x59: {  	[tilespmem:$0xB1F0] =	vst v0  }
0x5a: {  	[tilespmem:$0xB200] =	vst v0  }
0x5b: {  	[tilespmem:$0xB210] =	vst v0  }
0x5c: {  	[tilespmem:$0xB220] =	vst v0  }
0x5d: {  	[tilespmem:$0xB230] =	vst v0  }
0x5e: {  	[tilespmem:$0xB240] =	vst v0  }
0x5f: {  	[tilespmem:$0xB250] =	vst v0  }
0x60: {  	[tilespmem:$0xB260] =	vst v0  }
0x61: {  	[tilespmem:$0xB270] =	vst v0  }
0x62: {  	[tilespmem:$0xB280] =	vst v0  }
0x63: {  	[tilespmem:$0xB290] =	vst v0  }
0x64: {  	[tilespmem:$0xB2A0] =	vst v0  }
0x65: {  	[tilespmem:$0xB2B0] =	vst v0  }
0x66: {  	[tilespmem:$0xB2C0] =	vst v0  }
0x67: {  	[tilespmem:$0xB2D0] =	vst v0  }
0x68: {  	[tilespmem:$0xB2E0] =	vst v0  }
0x69: {  	[tilespmem:$0xB2F0] =	vst v0  }
0x6a: {  	[tilespmem:$0xB300] =	vst v0  }
0x6b: {  	[tilespmem:$0xB310] =	vst v0  }
0x6c: {  	[tilespmem:$0xB320] =	vst v0  }
0x6d: {  	[tilespmem:$0xB330] =	vst v0  }
0x6e: {  	[tilespmem:$0xB340] =	vst v0  }
0x6f: {  	[tilespmem:$0xB350] =	vst v0  }
0x70: {  	[tilespmem:$0xB360] =	vst v0  }
0x71: {  	[tilespmem:$0xB370] =	vst v0  }
0x72: {  	[tilespmem:$0xB380] =	vst v0  }
0x73: {  	[tilespmem:$0xB390] =	vst v0  }
0x74: {  	[tilespmem:$0xB3A0] =	vst v0  }
0x75: {  	[tilespmem:$0xB3B0] =	vst v0  }
0x76: {  	[tilespmem:$0xB3C0] =	vst v0  }
0x77: {  	[tilespmem:$0xB3D0] =	vst v0  }
0x78: {  	[tilespmem:$0xB3E0] =	vst v0  }
0x79: {  	s12 =	simm.s32 $0x200;
	s5 =	simm.s32 $0x0;
	v2 =	vld [tilespmem:$0x5F00];
	[tilespmem:$0xB3F0] =	vst v0  }
.LBB2_2:
0x7a: {  	p1 =	sne.s32 s12, $0x9E00;
	[tilespmem:s5+$0x61F0] =	vst v0  }
0x7b: {  	[tilespmem:s5+$0x6180] =	vst v0  }
0x7c: {  	[tilespmem:s5+$0x6190] =	vst v0  }
.Ltmp2:
0x7d: {  	[tilespmem:s5+$0x61A0] =	vst v0;
	(pc) =	sbr.rel @p1 .LBB2_2-.Ltmp2, $4  }
0x7e: {  	[tilespmem:s5+$0x61B0] =	vst v0  }
0x7f: {  	[tilespmem:s5+$0x61C0] =	vst v0  }
0x80: {  	[tilespmem:s5+$0x61D0] =	vst v0  }
0x81: {  	[tilespmem:s5+$0x61E0] =	vst v0;
	s5 =	sshra.s32 s12, $0x2;
	s12 =	sadd.s32 $0x200, s12  }
0x82: {  	[tilespmem:s5+$0x61F0] =	vst v0  }
0x83: {  	[tilespmem:s5+$0x6180] =	vst v0  }
0x84: {  	[tilespmem:s5+$0x6190] =	vst v0  }
0x85: {  	[tilespmem:s5+$0x61A0] =	vst v0  }
0x86: {  	[tilespmem:s5+$0x61B0] =	vst v0  }
0x87: {  	[tilespmem:s5+$0x61C0] =	vst v0  }
0x88: {  	[tilespmem:s5+$0x61D0] =	vst v0  }
0x89: {  	[tilespmem:s5+$0x61E0] =	vst v0  }
0x8a: {  	[tilespmem:$0x5F80] =	vst v0  }
0x8b: {  	[tilespmem:$0x6080] =	vst v1  }
0x8c: {  	[tilespmem:$0x5F90] =	vst v0  }
0x8d: {  	[tilespmem:$0x6090] =	vst v1  }
0x8e: {  	[tilespmem:$0x5FA0] =	vst v0  }
0x8f: {  	[tilespmem:$0x60A0] =	vst v1  }
0x90: {  	[tilespmem:$0x5FB0] =	vst v0  }
0x91: {  	[tilespmem:$0x60B0] =	vst v1  }
0x92: {  	[tilespmem:$0x5FC0] =	vst v0  }
0x93: {  	s5 =	simm.s32 $0x0;
	s12 =	simm.s32 $0x200;
	[tilespmem:$0x60C0] =	vst v1  }
.LBB2_4:
0x94: {  	p1 =	sne.s32 s12, $0x9E00;
	[tilespmem:s5+$0x89F0] =	vst v0  }
0x95: {  	[tilespmem:s5+$0x8980] =	vst v0  }
0x96: {  	[tilespmem:s5+$0x8990] =	vst v0  }
.Ltmp3:
0x97: {  	[tilespmem:s5+$0x89A0] =	vst v0;
	(pc) =	sbr.rel @p1 .LBB2_4-.Ltmp3, $4  }
0x98: {  	[tilespmem:s5+$0x89B0] =	vst v0  }
0x99: {  	[tilespmem:s5+$0x89C0] =	vst v0  }
0x9a: {  	[tilespmem:s5+$0x89D0] =	vst v0  }
0x9b: {  	[tilespmem:s5+$0x89E0] =	vst v0;
	s5 =	sshra.s32 s12, $0x2;
	s12 =	sadd.s32 $0x200, s12  }
0x9c: {  	[tilespmem:s5+$0x89F0] =	vst v0  }
0x9d: {  	[tilespmem:s5+$0x8980] =	vst v0  }
0x9e: {  	[tilespmem:s5+$0x8990] =	vst v0  }
0x9f: {  	[tilespmem:s5+$0x89A0] =	vst v0  }
0xa0: {  	[tilespmem:s5+$0x89B0] =	vst v0  }
0xa1: {  	[tilespmem:s5+$0x89C0] =	vst v0  }
0xa2: {  	[tilespmem:s5+$0x89D0] =	vst v0  }
0xa3: {  	[tilespmem:s5+$0x89E0] =	vst v0  }
0xa4: {  	[tilespmem:$0x6000] =	vst v0  }
0xa5: {  	[tilespmem:$0x6100] =	vst v1  }
0xa6: {  	[tilespmem:$0x6010] =	vst v0  }
0xa7: {  	[tilespmem:$0x6110] =	vst v1  }
0xa8: {  	[tilespmem:$0x6020] =	vst v0  }
0xa9: {  	[tilespmem:$0x6120] =	vst v1  }
0xaa: {  	[tilespmem:$0x6030] =	vst v0  }
0xab: {  	[tilespmem:$0x6130] =	vst v1  }
0xac: {  	[tilespmem:$0x6040] =	vst v0  }
0xad: {  	s12 =	simm.s32 $0xB180;
	[tilespmem:$0x6140] =	vst v1  }
0xae: {  	[spmem:s16] =	stream.linear.scatter [tilespmem:s12], [sflag:$0x7], $0x280, $0x38;
	[tilespmem:$0x1EF00] =	vst v63  }
0xaf: {  	_ =	swait.ge [sflag:s28], $0x280  }
0xb0: {  	[sflag:s28] =	ssyncset.done $0x0  }
0xb1: {  	s5 =	simm.s32 @!p0 $0x6180;
	s11 =	simm.s32 @!p0 $0x7;
	[sflag:s28] =	ssyncadd.s32 $0xFFFFFD80  }
0xb2: {  	[spmem:s15] =	stream.linear.scatter @!p0 [tilespmem:s5], [sflag:$0x7], $0x2800, $0x38;
	[tilespmem:$0x1EF00] =	vst v63  }
0xb3: {  	_ =	swait.ge @!p0 [sflag:s11], $0x2800  }
0xb4: {  	[sflag:s11] =	ssyncset.done @!p0 $0x0  }
0xb5: {  	s12 =	rddreg [dreg:$0xa];
	[sflag:s11] =	ssyncadd.s32 @!p0 $0xFFFFD800  }
0xb6: {  	[spmem:s12] =	stream.linear.scatter @!p0 [tilespmem:s5], [sflag:$0x7], $0x2800, $0x38;
	[tilespmem:$0x1EF00] =	vst v63  }
0xb7: {  	_ =	swait.ge @!p0 [sflag:s11], $0x2800  }
0xb8: {  	[sflag:s11] =	ssyncset.done @!p0 $0x0  }
0xb9: {  	s12 =	rddreg [dreg:$0xb];
	[sflag:s11] =	ssyncadd.s32 @!p0 $0xFFFFD800  }
0xba: {  	[spmem:s12] =	stream.linear.scatter @!p0 [tilespmem:s5], [sflag:$0x7], $0x2800, $0x38;
	[tilespmem:$0x1EF00] =	vst v63  }
0xbb: {  	_ =	swait.ge @!p0 [sflag:s11], $0x2800  }
0xbc: {  	[sflag:s11] =	ssyncset.done @!p0 $0x0  }
0xbd: {  	s17 =	rddreg [dreg:$0xc];
	[sflag:s11] =	ssyncadd.s32 @!p0 $0xFFFFD800  }
0xbe: {  	[spmem:s17] =	stream.linear.scatter [tilespmem:s0], [sflag:$0x7], $0x2800, $0x38;
	[tilespmem:$0x1EF00] =	vst v63  }
0xbf: {  	_ =	swait.ge [sflag:s28], $0x2800  }
0xc0: {  	[sflag:s28] =	ssyncset.done $0x0  }
0xc1: {  	s18 =	rddreg [dreg:$0xd];
	[sflag:s28] =	ssyncadd.s32 $0xFFFFD800  }
0xc2: {  	[spmem:s18] =	stream.linear.scatter [tilespmem:s0], [sflag:$0x7], $0x2800, $0x38;
	[tilespmem:$0x1EF00] =	vst v63  }
0xc3: {  	_ =	swait.ge [sflag:s28], $0x2800  }
0xc4: {  	[sflag:s28] =	ssyncset.done $0x0  }
0xc5: {  	s20 =	rddreg [dreg:$0xe];
	[sflag:s28] =	ssyncadd.s32 $0xFFFFD800  }
0xc6: {  	[spmem:s20] =	stream.linear.scatter [tilespmem:s0], [sflag:$0x7], $0x2800, $0x38;
	[tilespmem:$0x1EF00] =	vst v63  }
0xc7: {  	_ =	swait.ge [sflag:s28], $0x2800  }
0xc8: {  	[sflag:s28] =	ssyncset.done $0x0  }
0xc9: {  	s24 =	rddreg [dreg:$0xf];
	[sflag:s28] =	ssyncadd.s32 $0xFFFFD800  }
0xca: {  	[spmem:s24] =	stream.linear.scatter [tilespmem:s0], [sflag:$0x7], $0x2800, $0x38;
	[tilespmem:$0x1EF00] =	vst v63  }
0xcb: {  	_ =	swait.ge [sflag:s28], $0x2800  }
0xcc: {  	[sflag:s28] =	ssyncset.done $0x0  }
0xcd: {  	s25 =	rddreg [dreg:$0x11];
	[sflag:s28] =	ssyncadd.s32 $0xFFFFD800  }
0xce: {  	[spmem:s25] =	stream.linear.scatter [tilespmem:s0], [sflag:$0x7], $0x2800, $0x38;
	[tilespmem:$0x1EF00] =	vst v63  }
0xcf: {  	_ =	swait.ge [sflag:s28], $0x2800  }
0xd0: {  	[sflag:s28] =	ssyncset.done $0x0  }
0xd1: {  	[sflag:s28] =	ssyncadd.s32 $0xFFFFD800  }
0xd2: {  	[bflag:$0x0] =	sbarrier.arrive $0xFFFF  }
0xd3: {  	[spmem:s2] =	stream.indirect.scatter.add.f32 [tilespmem:s0], [sflag:$0x3], $0x80, s31, s30, $0xb8;
	[tilespmem:$0x1EF00] =	vst v63  }
0xd4: {  	_ = 	snop  }
0xd5: {  	[spmem:s4] =	stream.indirect.scatter.add.f32 [tilespmem:s3], [sflag:$0x5], $0x1, s31, s30, $0xb8;
	[tilespmem:$0x1EF00] =	vst v63  }
.Ltmp4:
0xd6: {  	_ = 	snop;
	(pc) =	sbr.rel .LBB2_6-.Ltmp4, $4  }
0xd7: {  	_ = 	snop  }
0xd8: {  	[spmem:s2] =	stream.indirect.scatter.add.f32 [tilespmem:s9], [sflag:$0x4], $0x80, s8, s30, $0xb8;
	[tilespmem:$0x1EF00] =	vst v63  }
0xd9: {  	s16 =	simm.s32 $0x0;
	s17 =	simm.s32 $0x0  }
0xda: {  	[spmem:s4] =	stream.indirect.scatter.add.f32 [tilespmem:s10], [sflag:$0x6], $0x1, s8, s30, $0xb8;
	[tilespmem:$0x1EF00] =	vst v63  }
.LBB2_13:
0xdb: {  	s17 =	sadd.s32 $0x1, s17  }
0xdc: {  	p1 =	sne.s32 s17, $0x5  }
.Ltmp5:
0xdd: {  	_ = 	snop;
	(pc) =	sbr.rel @!p1 .LBB2_14-.Ltmp5, $1  }
0xde: {  	_ =	sdelay $0x3  }
.LBB2_6:
0xdf: {  	s5 =	smul.u32 $0x7D0, s17;
	_ =	sdelay $0x1  }
0xe0: {  	s5 =	sadd.s32 s22, s5  }
0xe1: {  	s5 =	sshrl.u32 s5, $0x3  }
0xe2: {  	s11 =	sadd.s32 s6, s5  }
0xe3: {  	[tilespmem:s16], [sflag:$0x7] =	stream.linear.gather [hbm4b:s11+s16], $0x7D0, $0x38;
	[tilespmem:$0x1EF00] =	vst v63  }
0xe4: {  	_ =	swait.ge [sflag:s28], $0x7D0  }
0xe5: {  	[sflag:s28] =	ssyncset.done $0x0  }
0xe6: {  	s5 =	sadd.s32 s7, s5;
	[sflag:s28] =	ssyncadd.s32 $0xFFFFF830  }
0xe7: {  	[tilespmem:s13], [sflag:$0x7] =	stream.linear.gather [hbm4b:s5+s16], $0x7D0, $0x38;
	[tilespmem:$0x1EF00] =	vst v63  }
0xe8: {  	_ =	swait.ge [sflag:s28], $0x7D0  }
0xe9: {  	[sflag:s28] =	ssyncset.done $0x0  }
0xea: {  	[sflag:s28] =	ssyncadd.s32 $0xFFFFF830  }
0xeb: {  	_ =	swait.ge [sflag:s14], $0x2800  }
0xec: {  	[sflag:s14] =	ssyncset.done $0x0  }
0xed: {  	[sflag:s14] =	ssyncadd.s32 $0xFFFFD800  }
0xee: {  	_ =	swait.ge [sflag:s19], $0x50  }
0xef: {  	[sflag:s19] =	ssyncset.done $0x0  }
0xf0: {  	s18 =	simm.s32 $0x0;
	[sflag:s19] =	ssyncadd.s32 $0xFFFFFFB0  }
0xf1: {  	[tilespmem:s0], [sflag:$0x1] =	stream.indirect.gather [hbm4b:s1+s30], $0x80, s16, s30, $0xb8;
	[tilespmem:$0x1EF00] =	vst v63  }
.LBB2_7:
0xf2: {  	p1 =	seq.s32 s18, $0xC  }
0xf3: {  	s5 =	simm.s32 @!p1 $0x4  }
0xf4: {  	_ =	swait.ge @!p1 [sflag:s5], $0x2800  }
0xf5: {  	[sflag:s5] =	ssyncset.done @!p1 $0x0  }
0xf6: {  	s11 =	simm.s32 @!p1 $0x6;
	[sflag:s5] =	ssyncadd.s32 @!p1 $0xFFFFD800  }
0xf7: {  	s20 =	smul.u32 $0xA0, s18;
	_ =	swait.ge @!p1 [sflag:s11], $0x50  }
0xf8: {  	s12 =	simm.s32 @!p1 $0x8980;
	[sflag:s11] =	ssyncset.done @!p1 $0x0  }
0xf9: {  	s5 =	sadd.s32 $0x50, s20;
	[sflag:s11] =	ssyncadd.s32 @!p1 $0xFFFFFFB0;
	s11 =	simm.s32 @!p1 $0x50  }
0xfa: {  	[tilespmem:s12], [sflag:$0x2] =	stream.indirect.gather @!p1 [hbm4b:s1+s11], $0x80, s5, s11, $0xb8;
	[tilespmem:$0x1EF00] =	vst v63  }
0xfb: {  	s24 =	sor.u32 $0x10, s20;
	v3 =	vld [tilespmem:s20+$0x0]  }
0xfc: {  	v4 =	vld [tilespmem:s24+$0x0]  }
0xfd: {  	v5 =	vld [tilespmem:s20+$0x800]  }
0xfe: {  	v6 =	vld [tilespmem:s20+$0x20]  }
0xff: {  	v7 =	vld [tilespmem:s20+$0x30]  }
0x100: {  	v8 =	vld [tilespmem:s20+$0x810]  }
0x101: {  	v9 =	vld [tilespmem:s20+$0x40]  }
0x102: {  	v10 =	vld [tilespmem:s20+$0x820]  }
0x103: {  	v11 =	vld [tilespmem:s20+$0x830]  }
0x104: {  	v3 =	vld.idx.msk [tilespmem:v3+s26+$0x0], $0xffff  }
0x105: {  	v12 =	vld.idx.msk [tilespmem:v5+s29+$0x0], $0xffff  }
0x106: {  	v13 =	vld [tilespmem:s20+$0x840]  }
0x107: {  	v4 =	vld.idx.msk [tilespmem:v4+s26+$0x0], $0xffff  }
0x108: {  	v14 =	vld.idx.msk [tilespmem:v8+s29+$0x0], $0xffff;
	_ =	sdelay $0x1  }
0x109: {  	v6 =	vld.idx.msk [tilespmem:v6+s26+$0x0], $0xffff;
	v15 =	vadd.f32 v12, v2;
	v3 =	vadd.f32 v12, v3  }
0x10a: {  	v12 =	vld.idx.msk [tilespmem:v10+s29+$0x0], $0xffff  }
0x10b: {  	v18 =	vld.idx.msk [tilespmem:v11+s29+$0x0], $0xffff;
	v16 =	vmul.f32 $2.000000030e-01, v15;
	v17 =	vmul.f32 $2.000000030e-01, v3  }
0x10c: {  	v7 =	vld.idx.msk [tilespmem:v7+s26+$0x0], $0xffff;
	v4 =	vadd.f32 v14, v4  }
0x10d: {  	v9 =	vld.idx.msk [tilespmem:v9+s26+$0x0], $0xffff;
	v19 =	vadd.f32 v14, v2;
	v14 =	vmax.f32 v15, v16;
	v3 =	vmax.f32 v3, v17  }
0x10e: {  	v61 =	vld.idx.msk [tilespmem:v13+s29+$0x0], $0xffff;
	v15 =	vmul.f32 $2.000000030e-01, v4;
	v3 =	vsub.f32 v3, v14  }
0x10f: {  	v14 =	vmul.f32 $2.000000030e-01, v19;
	v62 =	vadd.f32 v12, v2;
	v6 =	vadd.f32 v12, v6  }
0x110: {  	v63 =	vadd.f32 v18, v2;
	v4 =	vmax.f32 v4, v15;
	v3 =	vmul.f32 $1.442695020e+00, v3  }
0x111: {  	v12 =	vmax.f32 v19, v14;
	v14 =	vmul.f32 $2.000000030e-01, v62;
	v15 =	vmul.f32 $2.000000030e-01, v6  }
0x112: {  	(erf) = vpow2.f32 v3;
	v3 =	vsub.f32 v4, v12;
	v4 =	vadd.f32 v18, v7  }
0x113: {  	v9 =	vadd.f32 v61, v9;
	v7 =	vmax.f32 v62, v14;
	v12 =	vmul.f32 $2.000000030e-01, v63  }
0x114: {  	v6 =	vmax.f32 v6, v15;
	v15 =	vadd.f32 v61, v2;
	v14 =	vmul.f32 $2.000000030e-01, v4  }
0x115: {  	v6 =	vsub.f32 v6, v7;
	v3 =	vmul.f32 $1.442695020e+00, v3;
	v7 =	vmax.f32 v63, v12  }
0x116: {  	v12 =	vmul.f32 $2.000000030e-01, v15;
	v4 =	vmax.f32 v4, v14;
	v14 =	vmul.f32 $2.000000030e-01, v9  }
0x117: {  	(erf) = vpow2.f32 v3;
	v3 =	vmul.f32 $1.442695020e+00, v6;
	v4 =	vsub.f32 v4, v7  }
0x118: {  	v6 =	vmax.f32 v15, v12;
	v7 =	vmax.f32 v9, v14  }
0x119: {  	(erf) = vpow2.f32 v3;
	v3 =	vmul.f32 $1.442695020e+00, v4;
	v4 =	vsub.f32 v7, v6;
	_ =	sdelay $0x1  }
0x11a: {  	(erf) = vpow2.f32 v3;
	v3 =	vmul.f32 $1.442695020e+00, v4;
	_ =	sdelay $0x1  }
0x11b: {  	(erf) = vpow2.f32 v3  }
0x11c: {  	[tilespmem:$0x6080] =	vst v5  }
0x11d: {  	[tilespmem:$0x6090] =	vst v8  }
0x11e: {  	[tilespmem:$0x60A0] =	vst v10  }
0x11f: {  	[tilespmem:$0x60B0] =	vst v11  }
0x120: {  	[tilespmem:$0x60C0] =	vst v13;
	v3 =	vpop (erf)  }
0x121: {  	[tilespmem:$0x5F80] =	vst v3;
	v3 =	vpop (erf)  }
0x122: {  	[tilespmem:$0x5F90] =	vst v3;
	v3 =	vpop (erf)  }
0x123: {  	[tilespmem:$0x5FA0] =	vst v3;
	v3 =	vpop (erf)  }
0x124: {  	s25 =	simm.s32 $0x0;
	[tilespmem:$0x5FB0] =	vst v3;
	v5 =	vpop (erf)  }
0x125: {  	s12 =	simm.s32 $0x2;
	v4 =	vmov s25;
	[tilespmem:$0x5FC0] =	vst v5  }
0x126: {  	v3 =	vand.u32 $0xFFFFFFFC, v4;
	v4 =	vmov s12;
	_ =	swait.ge [sflag:s23], $0x2800  }
0x127: {  	v3 =	vbroadcast v3, $0x0;
	v4 =	vand.u32 $0xFFFFFFFE, v4;
	[sflag:s23] =	ssyncset.done $0x0  }
0x128: {  	s24 =	simm.s32 $0x6280;
	v4 =	vbroadcast v4, $0x0;
	[sflag:s23] =	ssyncadd.s32 $0xFFFFD800  }
0x129: {  	v6 =	vld [tilespmem:s24+$0x70]  }
0x12a: {  	v7 =	vld [tilespmem:s24+$0xFFFFFF00]  }
0x12b: {  	s15 =	simm.s32 $0x1;
	v8 =	vld [tilespmem:s24+$0xFFFFFF10]  }
0x12c: {  	v5 =	vmov s15;
	v9 =	vld [tilespmem:s24+$0xFFFFFF20]  }
0x12d: {  	v5 =	vand.u32 $0xFFFFFFFD, v5;
	v3 =	vld.idx.msk [tilespmem:v3+s3+$0x0], $0xffff  }
0x12e: {  	v5 =	vbroadcast v5, $0x0;
	v4 =	vld.idx.msk [tilespmem:v4+s3+$0x0], $0xffff  }
0x12f: {  	v10 =	vld [tilespmem:s24+$0xFFFFFF30]  }
0x130: {  	v11 =	vld [tilespmem:s24+$0xFFFFFF40]  }
0x131: {  	v12 =	vld [tilespmem:s24+$0xFFFFFF50]  }
0x132: {  	v13 =	vld [tilespmem:s24+$0xFFFFFF60];
	v7 =	vmul.f32 v7, v3  }
0x133: {  	v15 =	vld [tilespmem:s24+$0x40];
	v6 =	vmul.f32 v6, v4  }
0x134: {  	v5 =	vld.idx.msk [tilespmem:v5+s3+$0x0], $0xffff;
	[tilespmem:s24+$0xFFFFFF00] =	vst v7;
	v7 =	vmul.f32 v8, v3  }
0x135: {  	v8 =	vld [tilespmem:s24+$0xFFFFFF70];
	[tilespmem:s24+$0x70] =	vst v6;
	v6 =	vmul.f32 v9, v3  }
0x136: {  	v9 =	vld [tilespmem:s24+$0xFFFFFF80];
	[tilespmem:s24+$0xFFFFFF10] =	vst v7;
	v7 =	vmul.f32 v10, v3  }
0x137: {  	v10 =	vld [tilespmem:s24+$0xFFFFFF90];
	[tilespmem:s24+$0xFFFFFF20] =	vst v6;
	v6 =	vmul.f32 v11, v3  }
0x138: {  	v11 =	vld [tilespmem:s24+$0xFFFFFFA0];
	[tilespmem:s24+$0xFFFFFF30] =	vst v7;
	v7 =	vmul.f32 v12, v3  }
0x139: {  	v12 =	vld [tilespmem:s24+$0xFFFFFFB0];
	[tilespmem:s24+$0xFFFFFF40] =	vst v6;
	v6 =	vmul.f32 v13, v3  }
0x13a: {  	v13 =	vld [tilespmem:s24+$0xFFFFFFC0];
	v8 =	vmul.f32 v8, v3;
	[tilespmem:s24+$0xFFFFFF50] =	vst v7  }
0x13b: {  	v7 =	vmul.f32 v9, v5;
	v9 =	vld [tilespmem:s24+$0xFFFFFFD0];
	[tilespmem:s24+$0xFFFFFF60] =	vst v6  }
0x13c: {  	s25 =	simm.s32 $0x3;
	v6 =	vld [tilespmem:s24+$0xFFFFFFE0];
	v10 =	vmul.f32 v10, v5;
	[tilespmem:s24+$0xFFFFFF70] =	vst v8  }
0x13d: {  	v14 =	vmov s25;
	v8 =	vld [tilespmem:s24+$0xFFFFFFF0];
	[tilespmem:s24+$0xFFFFFF80] =	vst v7;
	v7 =	vmul.f32 v11, v5  }
0x13e: {  	v11 =	vld [tilespmem:s24+$0x0];
	[tilespmem:s24+$0xFFFFFF90] =	vst v10;
	v10 =	vmul.f32 v12, v5  }
0x13f: {  	v12 =	vld [tilespmem:s24+$0x10];
	[tilespmem:s24+$0xFFFFFFA0] =	vst v7;
	v7 =	vmul.f32 v13, v5  }
0x140: {  	[tilespmem:s24+$0xFFFFFFB0] =	vst v10;
	v9 =	vmul.f32 v9, v5;
	v10 =	vld [tilespmem:s24+$0x20]  }
0x141: {  	v13 =	vld [tilespmem:s24+$0x30];
	[tilespmem:s24+$0xFFFFFFC0] =	vst v7;
	v6 =	vmul.f32 v6, v5  }
0x142: {  	v3 =	vld.idx.msk [tilespmem:v14+s3+$0x0], $0xffff;
	v5 =	vmul.f32 v8, v5;
	[tilespmem:s24+$0xFFFFFFD0] =	vst v9  }
0x143: {  	v7 =	vmul.f32 v11, v4;
	[tilespmem:s24+$0xFFFFFFE0] =	vst v6;
	v6 =	vld [tilespmem:s24+$0x50]  }
0x144: {  	s12 =	simm.s32 $0x4;
	[tilespmem:s24+$0xFFFFFFF0] =	vst v5;
	v8 =	vmul.f32 v12, v4;
	v5 =	vld [tilespmem:s24+$0x60]  }
0x145: {  	s15 =	simm.s32 $0x7;
	v9 =	vmov s12;
	[tilespmem:s24+$0x0] =	vst v7;
	v11 =	vmul.f32 v10, v4;
	v10 =	vld [tilespmem:s24+$0x80]  }
0x146: {  	s25 =	simm.s32 $0x5;
	v14 =	vand.u32 $0xFFFFFFFC, v9;
	v9 =	vld [tilespmem:s24+$0x90];
	v7 =	vmov s15;
	v12 =	vmul.f32 v13, v4;
	[tilespmem:s24+$0x10] =	vst v8  }
0x147: {  	s11 =	simm.s32 $0x6;
	s12 =	simm.s32 $0x8;
	v13 =	vmul.f32 v15, v4;
	v8 =	vbroadcast v14, $0x0;
	v14 =	vmov s25;
	s25 =	simm.s32 $0x6280;
	[tilespmem:s24+$0x20] =	vst v11;
	v11 =	vld [tilespmem:s24+$0xA0]  }
.LBB2_8:
0x148: {  	p2 =	slt.u32 s12, $0x4C;
	v14 =	vand.u32 $0xFFFFFFFD, v14;
	v15 =	vmov s11;
	[tilespmem:s24+$0x30] =	vst v12;
	v6 =	vmul.f32 v6, v4;
	v12 =	vld [tilespmem:s24+$0xB0]  }
0x149: {  	v14 =	vbroadcast v14, $0x0;
	v15 =	vand.u32 $0xFFFFFFFE, v15;
	[tilespmem:s24+$0x40] =	vst v13;
	v4 =	vmul.f32 v5, v4;
	v5 =	vld [tilespmem:s24+$0xC0]  }
0x14a: {  	v13 =	vbroadcast v15, $0x0;
	[tilespmem:s24+$0x50] =	vst v6;
	v6 =	vmul.f32 v10, v3;
	v10 =	vld [tilespmem:s24+$0xD0]  }
0x14b: {  	[tilespmem:s24+$0x60] =	vst v4;
	v4 =	vmul.f32 v9, v3;
	v9 =	vld [tilespmem:s24+$0xE0]  }
0x14c: {  	[tilespmem:s24+$0x80] =	vst v6;
	v6 =	vmul.f32 v11, v3;
	v11 =	vld [tilespmem:s24+$0xF0]  }
0x14d: {  	v7 =	vld.idx.msk [tilespmem:v7+s3+$0x0], $0xffff;
	[tilespmem:s24+$0x90] =	vst v4;
	v4 =	vmul.f32 v12, v3  }
0x14e: {  	v8 =	vld.idx.msk [tilespmem:v8+s3+$0x0], $0xffff;
	[tilespmem:s24+$0xA0] =	vst v6;
	v5 =	vmul.f32 v5, v3  }
0x14f: {  	v6 =	vld.idx.msk [tilespmem:v14+s3+$0x0], $0xffff;
	[tilespmem:s24+$0xB0] =	vst v4;
	v10 =	vmul.f32 v10, v3  }
0x150: {  	s24 =	sadd.s32 $0x200, s24;
	v4 =	vld.idx.msk [tilespmem:v13+s3+$0x0], $0xffff;
	[tilespmem:s25+$0xC0] =	vst v5;
	v5 =	vmul.f32 v9, v3  }
0x151: {  	v9 =	vld [tilespmem:s24+$0x70];
	[tilespmem:s25+$0xD0] =	vst v10;
	v11 =	vmul.f32 v11, v3  }
0x152: {  	v10 =	vld [tilespmem:s24+$0xFFFFFF00];
	[tilespmem:s25+$0xE0] =	vst v5  }
0x153: {  	v3 =	vmov v7;
	v5 =	vld [tilespmem:s24+$0xFFFFFF10];
	[tilespmem:s25+$0xF0] =	vst v11;
	s25 =	smov.u32 s24  }
0x154: {  	v7 =	vld [tilespmem:s24+$0xFFFFFF20]  }
0x155: {  	v11 =	vld [tilespmem:s24+$0xFFFFFF30]  }
0x156: {  	v12 =	vld [tilespmem:s24+$0xFFFFFF40];
	v9 =	vmul.f32 v9, v4  }
0x157: {  	v10 =	vmul.f32 v10, v8;
	v13 =	vld [tilespmem:s24+$0xFFFFFF50]  }
0x158: {  	v5 =	vmul.f32 v5, v8;
	v14 =	vld [tilespmem:s24+$0xFFFFFF60];
	[tilespmem:s24+$0x70] =	vst v9  }
0x159: {  	[tilespmem:s24+$0xFFFFFF00] =	vst v10;
	v7 =	vmul.f32 v7, v8;
	v9 =	vld [tilespmem:s24+$0xFFFFFF70]  }
0x15a: {  	[tilespmem:s24+$0xFFFFFF10] =	vst v5;
	v5 =	vmul.f32 v11, v8;
	v10 =	vld [tilespmem:s24+$0xFFFFFF80]  }
0x15b: {  	[tilespmem:s24+$0xFFFFFF20] =	vst v7;
	v7 =	vmul.f32 v12, v8;
	v11 =	vld [tilespmem:s24+$0xFFFFFF90]  }
0x15c: {  	[tilespmem:s24+$0xFFFFFF30] =	vst v5;
	v5 =	vmul.f32 v13, v8;
	v12 =	vld [tilespmem:s24+$0xFFFFFFA0]  }
0x15d: {  	[tilespmem:s24+$0xFFFFFF40] =	vst v7;
	v7 =	vmul.f32 v14, v8;
	v13 =	vld [tilespmem:s24+$0xFFFFFFB0]  }
0x15e: {  	[tilespmem:s24+$0xFFFFFF50] =	vst v5;
	v5 =	vmul.f32 v9, v8;
	v8 =	vld [tilespmem:s24+$0xFFFFFFC0]  }
0x15f: {  	[tilespmem:s24+$0xFFFFFF60] =	vst v7;
	v7 =	vmul.f32 v10, v6;
	v9 =	vld [tilespmem:s24+$0xFFFFFFD0]  }
0x160: {  	[tilespmem:s24+$0xFFFFFF70] =	vst v5;
	v5 =	vmul.f32 v11, v6;
	v10 =	vld [tilespmem:s24+$0xFFFFFFE0]  }
0x161: {  	[tilespmem:s24+$0xFFFFFF80] =	vst v7;
	v7 =	vmul.f32 v12, v6;
	v11 =	vld [tilespmem:s24+$0xFFFFFFF0]  }
0x162: {  	[tilespmem:s24+$0xFFFFFF90] =	vst v5;
	v5 =	vmul.f32 v13, v6;
	v12 =	vld [tilespmem:s24+$0x0]  }
0x163: {  	[tilespmem:s24+$0xFFFFFFA0] =	vst v7;
	v7 =	vmul.f32 v8, v6;
	v8 =	vld [tilespmem:s24+$0x10]  }
0x164: {  	[tilespmem:s24+$0xFFFFFFB0] =	vst v5;
	v5 =	vmul.f32 v9, v6;
	v9 =	vld [tilespmem:s24+$0x20]  }
0x165: {  	[tilespmem:s24+$0xFFFFFFC0] =	vst v7;
	v7 =	vmul.f32 v10, v6;
	v13 =	vld [tilespmem:s24+$0x30]  }
0x166: {  	[tilespmem:s24+$0xFFFFFFD0] =	vst v5;
	v5 =	vmul.f32 v11, v6;
	v11 =	vld [tilespmem:s24+$0x40]  }
.Ltmp6:
0x167: {  	[tilespmem:s24+$0xFFFFFFE0] =	vst v7;
	v7 =	vmul.f32 v12, v4;
	v6 =	vld [tilespmem:s24+$0x50];
	(pc) =	sbr.rel @p2 .LBB2_8-.Ltmp6, $4  }
0x168: {  	[tilespmem:s24+$0xFFFFFFF0] =	vst v5;
	v8 =	vmul.f32 v8, v4;
	v5 =	vld [tilespmem:s24+$0x60]  }
0x169: {  	s11 =	sadd.s32 $0x3, s12;
	v12 =	vmov s12;
	[tilespmem:s24+$0x0] =	vst v7;
	v15 =	vmul.f32 v9, v4;
	v10 =	vld [tilespmem:s24+$0x80]  }
0x16a: {  	s15 =	sadd.s32 $0x1, s12;
	v14 =	vand.u32 $0xFFFFFFFC, v12;
	v7 =	vmov s11;
	[tilespmem:s24+$0x10] =	vst v8;
	v12 =	vmul.f32 v13, v4;
	v9 =	vld [tilespmem:s24+$0x90]  }
0x16b: {  	s11 =	sadd.s32 $0x2, s12;
	s12 =	sadd.s32 $0x4, s12;
	v8 =	vbroadcast v14, $0x0;
	v14 =	vmov s15;
	[tilespmem:s24+$0x20] =	vst v15;
	v13 =	vmul.f32 v11, v4;
	v11 =	vld [tilespmem:s24+$0xA0]  }
0x16c: {  	v15 =	vld [tilespmem:s24+$0xB0]  }
0x16d: {  	v16 =	vmov s11;
	v17 =	vld [tilespmem:s24+$0xC0]  }
0x16e: {  	v18 =	vld [tilespmem:s24+$0xD0];
	v16 =	vand.u32 $0xFFFFFFFE, v16  }
0x16f: {  	v19 =	vld [tilespmem:s24+$0xE0];
	v16 =	vbroadcast v16, $0x0  }
0x170: {  	v55 =	vld [tilespmem:s24+$0xF0];
	[tilespmem:s24+$0x30] =	vst v12;
	v6 =	vmul.f32 v6, v4  }
0x171: {  	v7 =	vld.idx.msk [tilespmem:v7+s3+$0x0], $0xffff;
	[tilespmem:s24+$0x40] =	vst v13;
	v56 =	vmul.f32 v5, v4  }
0x172: {  	s12 =	sadd.s32 $0x200, s24;
	v57 =	vld.idx.msk [tilespmem:v8+s3+$0x0], $0xffff;
	v10 =	vmul.f32 v10, v3;
	[tilespmem:s24+$0x50] =	vst v6  }
0x173: {  	v20 =	vld [tilespmem:s12+$0xFFFFFF10];
	v58 =	vmul.f32 v9, v3;
	[tilespmem:s24+$0x60] =	vst v56  }
0x174: {  	v23 =	vld [tilespmem:s12+$0xFFFFFF30];
	[tilespmem:s24+$0x80] =	vst v10;
	v60 =	vmul.f32 v11, v3  }
0x175: {  	[tilespmem:s24+$0x90] =	vst v58;
	v62 =	vmul.f32 v15, v3;
	v61 =	vld.idx.msk [tilespmem:v16+s3+$0x0], $0xffff  }
0x176: {  	v18 =	vmul.f32 v18, v3;
	[tilespmem:s24+$0xA0] =	vst v60;
	v16 =	vmul.f32 v17, v3;
	v17 =	vld [tilespmem:s12+$0xFFFFFF00]  }
0x177: {  	v14 =	vand.u32 $0xFFFFFFFD, v14;
	v26 =	vld [tilespmem:s12+$0xFFFFFF50];
	v21 =	vmul.f32 v19, v3;
	[tilespmem:s24+$0xB0] =	vst v62  }
0x178: {  	v14 =	vbroadcast v14, $0x0;
	v22 =	vld [tilespmem:s12+$0xFFFFFF20];
	v27 =	vmul.f32 v20, v57;
	[tilespmem:s25+$0xD0] =	vst v18  }
0x179: {  	v29 =	vld [tilespmem:s12+$0xFFFFFF70];
	v3 =	vmul.f32 v55, v3;
	[tilespmem:s25+$0xE0] =	vst v21  }
0x17a: {  	v24 =	vld [tilespmem:s12+$0xFFFFFF40];
	v6 =	vmul.f32 v23, v57;
	[tilespmem:s12+$0xFFFFFF10] =	vst v27  }
0x17b: {  	v53 =	vld [tilespmem:s12+$0xA0];
	[tilespmem:s25+$0xF0] =	vst v3;
	v3 =	vmul.f32 v17, v57  }
0x17c: {  	v28 =	vld [tilespmem:s12+$0xFFFFFF60];
	v32 =	vmul.f32 v26, v57;
	[tilespmem:s12+$0xFFFFFF30] =	vst v6  }
0x17d: {  	v30 =	vld [tilespmem:s12+$0xFFFFFF80];
	[tilespmem:s12+$0xFFFFFF00] =	vst v3;
	v3 =	vmul.f32 v22, v57  }
0x17e: {  	v5 =	vmul.f32 v29, v57;
	v59 =	vld.idx.msk [tilespmem:v14+s3+$0x0], $0xffff;
	[tilespmem:s12+$0xFFFFFF50] =	vst v32  }
0x17f: {  	v56 =	vld [tilespmem:s12+$0xC0];
	[tilespmem:s12+$0xFFFFFF20] =	vst v3;
	v3 =	vmul.f32 v24, v57  }
0x180: {  	v33 =	vld [tilespmem:s12+$0xFFFFFFA0];
	v60 =	vmul.f32 v53, v7;
	[tilespmem:s12+$0xFFFFFF70] =	vst v5  }
0x181: {  	v31 =	vld [tilespmem:s12+$0xFFFFFF90];
	[tilespmem:s12+$0xFFFFFF40] =	vst v3;
	v3 =	vmul.f32 v28, v57  }
0x182: {  	v35 =	vld [tilespmem:s12+$0xFFFFFFC0];
	[tilespmem:s12+$0xA0] =	vst v60  }
0x183: {  	v34 =	vld [tilespmem:s12+$0xFFFFFFB0];
	[tilespmem:s12+$0xFFFFFF60] =	vst v3;
	v3 =	vmul.f32 v30, v59  }
0x184: {  	v37 =	vld [tilespmem:s12+$0xFFFFFFE0];
	v62 =	vmul.f32 v56, v7;
	[tilespmem:s25+$0xC0] =	vst v16  }
0x185: {  	v36 =	vld [tilespmem:s12+$0xFFFFFFD0];
	[tilespmem:s12+$0xFFFFFF80] =	vst v3;
	v3 =	vmul.f32 v33, v59  }
0x186: {  	v40 =	vld [tilespmem:s12+$0x0];
	[tilespmem:s12+$0xC0] =	vst v62;
	v4 =	vmul.f32 v31, v59  }
0x187: {  	v38 =	vld [tilespmem:s12+$0xFFFFFFF0];
	[tilespmem:s12+$0xFFFFFFA0] =	vst v3;
	v3 =	vmul.f32 v35, v59  }
0x188: {  	v43 =	vld [tilespmem:s12+$0x20];
	v39 =	vmul.f32 v34, v59;
	[tilespmem:s12+$0xFFFFFF90] =	vst v4  }
0x189: {  	v63 =	vld [tilespmem:s12+$0x70];
	[tilespmem:s12+$0xFFFFFFC0] =	vst v3;
	v3 =	vmul.f32 v37, v59  }
0x18a: {  	v46 =	vld [tilespmem:s12+$0x40];
	v42 =	vmul.f32 v36, v59;
	[tilespmem:s12+$0xFFFFFFB0] =	vst v39  }
0x18b: {  	v41 =	vld [tilespmem:s12+$0x10];
	[tilespmem:s12+$0xFFFFFFE0] =	vst v3;
	v3 =	vmul.f32 v40, v61  }
0x18c: {  	v49 =	vld [tilespmem:s12+$0x60];
	v45 =	vmul.f32 v38, v59;
	[tilespmem:s12+$0xFFFFFFD0] =	vst v42  }
0x18d: {  	v44 =	vld [tilespmem:s12+$0x30];
	[tilespmem:s12+$0x0] =	vst v3;
	v3 =	vmul.f32 v43, v61  }
0x18e: {  	v52 =	vld [tilespmem:s12+$0x90];
	v25 =	vmul.f32 v63, v61;
	[tilespmem:s12+$0xFFFFFFF0] =	vst v45  }
0x18f: {  	v47 =	vld [tilespmem:s12+$0x50];
	[tilespmem:s12+$0x20] =	vst v3;
	v3 =	vmul.f32 v46, v61  }
0x190: {  	v55 =	vld [tilespmem:s12+$0xB0];
	v48 =	vmul.f32 v41, v61;
	[tilespmem:s12+$0x70] =	vst v25  }
0x191: {  	v50 =	vld [tilespmem:s12+$0x80];
	[tilespmem:s12+$0x40] =	vst v3;
	v3 =	vmul.f32 v49, v61  }
0x192: {  	v58 =	vld [tilespmem:s12+$0xD0];
	v51 =	vmul.f32 v44, v61;
	[tilespmem:s12+$0x10] =	vst v48  }
0x193: {  	v59 =	vld [tilespmem:s12+$0xE0];
	[tilespmem:s12+$0x60] =	vst v3;
	v3 =	vmul.f32 v52, v7  }
0x194: {  	v54 =	vmul.f32 v47, v61;
	[tilespmem:s12+$0x30] =	vst v51;
	v61 =	vld [tilespmem:s12+$0xF0]  }
0x195: {  	[tilespmem:s12+$0x90] =	vst v3;
	v3 =	vmul.f32 v55, v7  }
0x196: {  	[tilespmem:s12+$0x50] =	vst v54;
	v57 =	vmul.f32 v50, v7  }
0x197: {  	[tilespmem:s12+$0xB0] =	vst v3;
	v3 =	vmul.f32 v58, v7  }
0x198: {  	[tilespmem:s12+$0x80] =	vst v57;
	v63 =	vmul.f32 v59, v7  }
0x199: {  	[tilespmem:s12+$0xD0] =	vst v3;
	v3 =	vmul.f32 v61, v7  }
.Ltmp7:
0x19a: {  	[tilespmem:s12+$0xE0] =	vst v63;
	(pc) =	sbr.rel @p1 .LBB2_13-.Ltmp7, $4  }
0x19b: {  	[tilespmem:s12+$0xF0] =	vst v3  }
0x19c: {  	[spmem:s2] =	stream.indirect.scatter.add.f32 [tilespmem:s0], [sflag:$0x3], $0x80, s31, s30, $0xb8;
	[tilespmem:$0x1EF00] =	vst v63  }
0x19d: {  	_ = 	snop  }
0x19e: {  	[spmem:s4] =	stream.indirect.scatter.add.f32 [tilespmem:s3], [sflag:$0x5], $0x1, s31, s30, $0xb8;
	[tilespmem:$0x1EF00] =	vst v63  }
0x19f: {  	_ =	swait.ge [sflag:s14], $0x2800  }
0x1a0: {  	[sflag:s14] =	ssyncset.done $0x0  }
0x1a1: {  	[sflag:s14] =	ssyncadd.s32 $0xFFFFD800  }
0x1a2: {  	_ =	swait.ge [sflag:s19], $0x50  }
0x1a3: {  	[sflag:s19] =	ssyncset.done $0x0  }
0x1a4: {  	s11 =	sadd.s32 $0xA0, s20;
	[sflag:s19] =	ssyncadd.s32 $0xFFFFFFB0  }
0x1a5: {  	[tilespmem:s0], [sflag:$0x1] =	stream.indirect.gather [hbm4b:s1+s30], $0x80, s11, s30, $0xb8;
	[tilespmem:$0x1EF00] =	vst v63  }
0x1a6: {  	v3 =	vld [tilespmem:s20+$0x50]  }
0x1a7: {  	v4 =	vld [tilespmem:s20+$0x60]  }
0x1a8: {  	v5 =	vld [tilespmem:s5+$0x800]  }
0x1a9: {  	s25 =	sand.u32 $0xFE0, s20;
	v6 =	vld [tilespmem:s20+$0x70]  }
0x1aa: {  	v7 =	vld [tilespmem:s25+$0x80]  }
0x1ab: {  	v8 =	vld [tilespmem:s20+$0x860]  }
0x1ac: {  	v9 =	vld [tilespmem:s20+$0x90]  }
0x1ad: {  	v10 =	vld [tilespmem:s20+$0x870]  }
0x1ae: {  	v11 =	vld [tilespmem:s25+$0x880]  }
0x1af: {  	v3 =	vld.idx.msk [tilespmem:v3+s26+$0x0], $0xffff  }
0x1b0: {  	v12 =	vld.idx.msk [tilespmem:v5+s29+$0x0], $0xffff  }
0x1b1: {  	v13 =	vld [tilespmem:s20+$0x890]  }
0x1b2: {  	v4 =	vld.idx.msk [tilespmem:v4+s26+$0x0], $0xffff  }
0x1b3: {  	v14 =	vld.idx.msk [tilespmem:v8+s29+$0x0], $0xffff;
	_ =	sdelay $0x1  }
0x1b4: {  	v6 =	vld.idx.msk [tilespmem:v6+s26+$0x0], $0xffff;
	v15 =	vadd.f32 v12, v2;
	v3 =	vadd.f32 v12, v3  }
0x1b5: {  	v12 =	vld.idx.msk [tilespmem:v10+s29+$0x0], $0xffff  }
0x1b6: {  	v18 =	vld.idx.msk [tilespmem:v11+s29+$0x0], $0xffff;
	v16 =	vmul.f32 $2.000000030e-01, v15;
	v17 =	vmul.f32 $2.000000030e-01, v3  }
0x1b7: {  	v7 =	vld.idx.msk [tilespmem:v7+s26+$0x0], $0xffff;
	v4 =	vadd.f32 v14, v4  }
0x1b8: {  	v9 =	vld.idx.msk [tilespmem:v9+s26+$0x0], $0xffff;
	v19 =	vadd.f32 v14, v2;
	v14 =	vmax.f32 v15, v16;
	v3 =	vmax.f32 v3, v17  }
0x1b9: {  	v61 =	vld.idx.msk [tilespmem:v13+s29+$0x0], $0xffff;
	v15 =	vmul.f32 $2.000000030e-01, v4;
	v3 =	vsub.f32 v3, v14  }
0x1ba: {  	v14 =	vmul.f32 $2.000000030e-01, v19;
	v62 =	vadd.f32 v12, v2;
	v6 =	vadd.f32 v12, v6  }
0x1bb: {  	v63 =	vadd.f32 v18, v2;
	v4 =	vmax.f32 v4, v15;
	v3 =	vmul.f32 $1.442695020e+00, v3  }
0x1bc: {  	v12 =	vmax.f32 v19, v14;
	v14 =	vmul.f32 $2.000000030e-01, v62;
	v15 =	vmul.f32 $2.000000030e-01, v6  }
0x1bd: {  	(erf) = vpow2.f32 v3;
	v3 =	vsub.f32 v4, v12;
	v4 =	vadd.f32 v18, v7  }
0x1be: {  	v9 =	vadd.f32 v61, v9;
	v7 =	vmax.f32 v62, v14;
	v12 =	vmul.f32 $2.000000030e-01, v63  }
0x1bf: {  	v6 =	vmax.f32 v6, v15;
	v15 =	vadd.f32 v61, v2;
	v14 =	vmul.f32 $2.000000030e-01, v4  }
0x1c0: {  	v6 =	vsub.f32 v6, v7;
	v3 =	vmul.f32 $1.442695020e+00, v3;
	v7 =	vmax.f32 v63, v12  }
0x1c1: {  	v12 =	vmul.f32 $2.000000030e-01, v15;
	v4 =	vmax.f32 v4, v14;
	v14 =	vmul.f32 $2.000000030e-01, v9  }
0x1c2: {  	(erf) = vpow2.f32 v3;
	v3 =	vmul.f32 $1.442695020e+00, v6;
	v4 =	vsub.f32 v4, v7  }
0x1c3: {  	v6 =	vmax.f32 v15, v12;
	v7 =	vmax.f32 v9, v14  }
0x1c4: {  	(erf) = vpow2.f32 v3;
	v3 =	vmul.f32 $1.442695020e+00, v4;
	v4 =	vsub.f32 v7, v6;
	_ =	sdelay $0x1  }
0x1c5: {  	(erf) = vpow2.f32 v3;
	v3 =	vmul.f32 $1.442695020e+00, v4;
	_ =	sdelay $0x1  }
0x1c6: {  	(erf) = vpow2.f32 v3  }
0x1c7: {  	[tilespmem:$0x6100] =	vst v5  }
0x1c8: {  	[tilespmem:$0x6110] =	vst v8  }
0x1c9: {  	[tilespmem:$0x6120] =	vst v10  }
0x1ca: {  	[tilespmem:$0x6130] =	vst v11  }
0x1cb: {  	[tilespmem:$0x6140] =	vst v13;
	v3 =	vpop (erf)  }
0x1cc: {  	[tilespmem:$0x6000] =	vst v3;
	v3 =	vpop (erf)  }
0x1cd: {  	[tilespmem:$0x6010] =	vst v3;
	v3 =	vpop (erf)  }
0x1ce: {  	[tilespmem:$0x6020] =	vst v3;
	v3 =	vpop (erf)  }
0x1cf: {  	s11 =	simm.s32 $0x0;
	[tilespmem:$0x6030] =	vst v3;
	v5 =	vpop (erf)  }
0x1d0: {  	s12 =	simm.s32 $0x2;
	v4 =	vmov s11;
	[tilespmem:$0x6040] =	vst v5  }
0x1d1: {  	v3 =	vand.u32 $0xFFFFFFFC, v4;
	v4 =	vmov s12;
	_ =	swait.ge [sflag:s21], $0x2800  }
0x1d2: {  	v3 =	vbroadcast v3, $0x0;
	v4 =	vand.u32 $0xFFFFFFFE, v4;
	[sflag:s21] =	ssyncset.done $0x0  }
0x1d3: {  	s5 =	simm.s32 $0x8A80;
	v4 =	vbroadcast v4, $0x0;
	[sflag:s21] =	ssyncadd.s32 $0xFFFFD800  }
0x1d4: {  	v6 =	vld [tilespmem:s5+$0x70]  }
0x1d5: {  	v7 =	vld [tilespmem:s5+$0xFFFFFF00]  }
0x1d6: {  	s15 =	simm.s32 $0x1;
	v8 =	vld [tilespmem:s5+$0xFFFFFF10]  }
0x1d7: {  	v5 =	vmov s15;
	v9 =	vld [tilespmem:s5+$0xFFFFFF20]  }
0x1d8: {  	v5 =	vand.u32 $0xFFFFFFFD, v5;
	v3 =	vld.idx.msk [tilespmem:v3+s10+$0x0], $0xffff  }
0x1d9: {  	v5 =	vbroadcast v5, $0x0;
	v4 =	vld.idx.msk [tilespmem:v4+s10+$0x0], $0xffff  }
0x1da: {  	v10 =	vld [tilespmem:s5+$0xFFFFFF30]  }
0x1db: {  	v11 =	vld [tilespmem:s5+$0xFFFFFF40]  }
0x1dc: {  	v12 =	vld [tilespmem:s5+$0xFFFFFF50]  }
0x1dd: {  	v13 =	vld [tilespmem:s5+$0xFFFFFF60];
	v7 =	vmul.f32 v7, v3  }
0x1de: {  	v15 =	vld [tilespmem:s5+$0x40];
	v6 =	vmul.f32 v6, v4  }
0x1df: {  	v5 =	vld.idx.msk [tilespmem:v5+s10+$0x0], $0xffff;
	[tilespmem:s5+$0xFFFFFF00] =	vst v7;
	v7 =	vmul.f32 v8, v3  }
0x1e0: {  	v8 =	vld [tilespmem:s5+$0xFFFFFF70];
	[tilespmem:s5+$0x70] =	vst v6;
	v6 =	vmul.f32 v9, v3  }
0x1e1: {  	v9 =	vld [tilespmem:s5+$0xFFFFFF80];
	[tilespmem:s5+$0xFFFFFF10] =	vst v7;
	v7 =	vmul.f32 v10, v3  }
0x1e2: {  	v10 =	vld [tilespmem:s5+$0xFFFFFF90];
	[tilespmem:s5+$0xFFFFFF20] =	vst v6;
	v6 =	vmul.f32 v11, v3  }
0x1e3: {  	v11 =	vld [tilespmem:s5+$0xFFFFFFA0];
	[tilespmem:s5+$0xFFFFFF30] =	vst v7;
	v7 =	vmul.f32 v12, v3  }
0x1e4: {  	v12 =	vld [tilespmem:s5+$0xFFFFFFB0];
	[tilespmem:s5+$0xFFFFFF40] =	vst v6;
	v6 =	vmul.f32 v13, v3  }
0x1e5: {  	v13 =	vld [tilespmem:s5+$0xFFFFFFC0];
	v8 =	vmul.f32 v8, v3;
	[tilespmem:s5+$0xFFFFFF50] =	vst v7  }
0x1e6: {  	v7 =	vmul.f32 v9, v5;
	v9 =	vld [tilespmem:s5+$0xFFFFFFD0];
	[tilespmem:s5+$0xFFFFFF60] =	vst v6  }
0x1e7: {  	s20 =	simm.s32 $0x3;
	v6 =	vld [tilespmem:s5+$0xFFFFFFE0];
	v10 =	vmul.f32 v10, v5;
	[tilespmem:s5+$0xFFFFFF70] =	vst v8  }
0x1e8: {  	v14 =	vmov s20;
	v8 =	vld [tilespmem:s5+$0xFFFFFFF0];
	[tilespmem:s5+$0xFFFFFF80] =	vst v7;
	v7 =	vmul.f32 v11, v5  }
0x1e9: {  	v11 =	vld [tilespmem:s5+$0x0];
	[tilespmem:s5+$0xFFFFFF90] =	vst v10;
	v10 =	vmul.f32 v12, v5  }
0x1ea: {  	v12 =	vld [tilespmem:s5+$0x10];
	[tilespmem:s5+$0xFFFFFFA0] =	vst v7;
	v7 =	vmul.f32 v13, v5  }
0x1eb: {  	[tilespmem:s5+$0xFFFFFFB0] =	vst v10;
	v9 =	vmul.f32 v9, v5;
	v10 =	vld [tilespmem:s5+$0x20]  }
0x1ec: {  	v13 =	vld [tilespmem:s5+$0x30];
	[tilespmem:s5+$0xFFFFFFC0] =	vst v7;
	v6 =	vmul.f32 v6, v5  }
0x1ed: {  	v3 =	vld.idx.msk [tilespmem:v14+s10+$0x0], $0xffff;
	v5 =	vmul.f32 v8, v5;
	[tilespmem:s5+$0xFFFFFFD0] =	vst v9  }
0x1ee: {  	v7 =	vmul.f32 v11, v4;
	[tilespmem:s5+$0xFFFFFFE0] =	vst v6;
	v6 =	vld [tilespmem:s5+$0x50]  }
0x1ef: {  	s24 =	simm.s32 $0x4;
	[tilespmem:s5+$0xFFFFFFF0] =	vst v5;
	v8 =	vmul.f32 v12, v4;
	v5 =	vld [tilespmem:s5+$0x60]  }
0x1f0: {  	s25 =	simm.s32 $0x7;
	v9 =	vmov s24;
	[tilespmem:s5+$0x0] =	vst v7;
	v11 =	vmul.f32 v10, v4;
	v10 =	vld [tilespmem:s5+$0x80]  }
0x1f1: {  	s12 =	simm.s32 $0x5;
	v14 =	vand.u32 $0xFFFFFFFC, v9;
	v9 =	vld [tilespmem:s5+$0x90];
	v7 =	vmov s25;
	v12 =	vmul.f32 v13, v4;
	[tilespmem:s5+$0x10] =	vst v8  }
0x1f2: {  	s20 =	simm.s32 $0x8A80;
	s11 =	simm.s32 $0x6;
	v13 =	vmul.f32 v15, v4;
	v8 =	vbroadcast v14, $0x0;
	v14 =	vmov s12;
	s12 =	simm.s32 $0x8;
	[tilespmem:s5+$0x20] =	vst v11;
	v11 =	vld [tilespmem:s5+$0xA0]  }
.LBB2_11:
0x1f3: {  	p1 =	slt.u32 s12, $0x4C;
	v14 =	vand.u32 $0xFFFFFFFD, v14;
	v15 =	vmov s11;
	[tilespmem:s5+$0x30] =	vst v12;
	v6 =	vmul.f32 v6, v4;
	v12 =	vld [tilespmem:s5+$0xB0]  }
0x1f4: {  	v14 =	vbroadcast v14, $0x0;
	v15 =	vand.u32 $0xFFFFFFFE, v15;
	[tilespmem:s5+$0x40] =	vst v13;
	v4 =	vmul.f32 v5, v4;
	v5 =	vld [tilespmem:s5+$0xC0]  }
0x1f5: {  	v13 =	vbroadcast v15, $0x0;
	[tilespmem:s5+$0x50] =	vst v6;
	v6 =	vmul.f32 v10, v3;
	v10 =	vld [tilespmem:s5+$0xD0]  }
0x1f6: {  	[tilespmem:s5+$0x60] =	vst v4;
	v4 =	vmul.f32 v9, v3;
	v9 =	vld [tilespmem:s5+$0xE0]  }
0x1f7: {  	[tilespmem:s5+$0x80] =	vst v6;
	v6 =	vmul.f32 v11, v3;
	v11 =	vld [tilespmem:s5+$0xF0]  }
0x1f8: {  	v7 =	vld.idx.msk [tilespmem:v7+s10+$0x0], $0xffff;
	[tilespmem:s5+$0x90] =	vst v4;
	v4 =	vmul.f32 v12, v3  }
0x1f9: {  	v8 =	vld.idx.msk [tilespmem:v8+s10+$0x0], $0xffff;
	[tilespmem:s5+$0xA0] =	vst v6;
	v5 =	vmul.f32 v5, v3  }
0x1fa: {  	v6 =	vld.idx.msk [tilespmem:v14+s10+$0x0], $0xffff;
	[tilespmem:s5+$0xB0] =	vst v4;
	v10 =	vmul.f32 v10, v3  }
0x1fb: {  	s5 =	sadd.s32 $0x200, s5;
	v4 =	vld.idx.msk [tilespmem:v13+s10+$0x0], $0xffff;
	[tilespmem:s20+$0xC0] =	vst v5;
	v5 =	vmul.f32 v9, v3  }
0x1fc: {  	v9 =	vld [tilespmem:s5+$0x70];
	[tilespmem:s20+$0xD0] =	vst v10;
	v11 =	vmul.f32 v11, v3  }
0x1fd: {  	v10 =	vld [tilespmem:s5+$0xFFFFFF00];
	[tilespmem:s20+$0xE0] =	vst v5  }
0x1fe: {  	v3 =	vmov v7;
	v5 =	vld [tilespmem:s5+$0xFFFFFF10];
	[tilespmem:s20+$0xF0] =	vst v11;
	s20 =	smov.u32 s5  }
0x1ff: {  	v7 =	vld [tilespmem:s5+$0xFFFFFF20]  }
0x200: {  	v11 =	vld [tilespmem:s5+$0xFFFFFF30]  }
0x201: {  	v12 =	vld [tilespmem:s5+$0xFFFFFF40];
	v9 =	vmul.f32 v9, v4  }
0x202: {  	v10 =	vmul.f32 v10, v8;
	v13 =	vld [tilespmem:s5+$0xFFFFFF50]  }
0x203: {  	v5 =	vmul.f32 v5, v8;
	v14 =	vld [tilespmem:s5+$0xFFFFFF60];
	[tilespmem:s5+$0x70] =	vst v9  }
0x204: {  	[tilespmem:s5+$0xFFFFFF00] =	vst v10;
	v7 =	vmul.f32 v7, v8;
	v9 =	vld [tilespmem:s5+$0xFFFFFF70]  }
0x205: {  	[tilespmem:s5+$0xFFFFFF10] =	vst v5;
	v5 =	vmul.f32 v11, v8;
	v10 =	vld [tilespmem:s5+$0xFFFFFF80]  }
0x206: {  	[tilespmem:s5+$0xFFFFFF20] =	vst v7;
	v7 =	vmul.f32 v12, v8;
	v11 =	vld [tilespmem:s5+$0xFFFFFF90]  }
0x207: {  	[tilespmem:s5+$0xFFFFFF30] =	vst v5;
	v5 =	vmul.f32 v13, v8;
	v12 =	vld [tilespmem:s5+$0xFFFFFFA0]  }
0x208: {  	[tilespmem:s5+$0xFFFFFF40] =	vst v7;
	v7 =	vmul.f32 v14, v8;
	v13 =	vld [tilespmem:s5+$0xFFFFFFB0]  }
0x209: {  	[tilespmem:s5+$0xFFFFFF50] =	vst v5;
	v5 =	vmul.f32 v9, v8;
	v8 =	vld [tilespmem:s5+$0xFFFFFFC0]  }
0x20a: {  	[tilespmem:s5+$0xFFFFFF60] =	vst v7;
	v7 =	vmul.f32 v10, v6;
	v9 =	vld [tilespmem:s5+$0xFFFFFFD0]  }
0x20b: {  	[tilespmem:s5+$0xFFFFFF70] =	vst v5;
	v5 =	vmul.f32 v11, v6;
	v10 =	vld [tilespmem:s5+$0xFFFFFFE0]  }
0x20c: {  	[tilespmem:s5+$0xFFFFFF80] =	vst v7;
	v7 =	vmul.f32 v12, v6;
	v11 =	vld [tilespmem:s5+$0xFFFFFFF0]  }
0x20d: {  	[tilespmem:s5+$0xFFFFFF90] =	vst v5;
	v5 =	vmul.f32 v13, v6;
	v12 =	vld [tilespmem:s5+$0x0]  }
0x20e: {  	[tilespmem:s5+$0xFFFFFFA0] =	vst v7;
	v7 =	vmul.f32 v8, v6;
	v8 =	vld [tilespmem:s5+$0x10]  }
0x20f: {  	[tilespmem:s5+$0xFFFFFFB0] =	vst v5;
	v5 =	vmul.f32 v9, v6;
	v9 =	vld [tilespmem:s5+$0x20]  }
0x210: {  	[tilespmem:s5+$0xFFFFFFC0] =	vst v7;
	v7 =	vmul.f32 v10, v6;
	v13 =	vld [tilespmem:s5+$0x30]  }
0x211: {  	[tilespmem:s5+$0xFFFFFFD0] =	vst v5;
	v5 =	vmul.f32 v11, v6;
	v11 =	vld [tilespmem:s5+$0x40]  }
.Ltmp8:
0x212: {  	[tilespmem:s5+$0xFFFFFFE0] =	vst v7;
	v7 =	vmul.f32 v12, v4;
	v6 =	vld [tilespmem:s5+$0x50];
	(pc) =	sbr.rel @p1 .LBB2_11-.Ltmp8, $4  }
0x213: {  	[tilespmem:s5+$0xFFFFFFF0] =	vst v5;
	v8 =	vmul.f32 v8, v4;
	v5 =	vld [tilespmem:s5+$0x60]  }
0x214: {  	s11 =	sadd.s32 $0x3, s12;
	v12 =	vmov s12;
	[tilespmem:s5+$0x0] =	vst v7;
	v15 =	vmul.f32 v9, v4;
	v10 =	vld [tilespmem:s5+$0x80]  }
0x215: {  	s15 =	sadd.s32 $0x1, s12;
	v14 =	vand.u32 $0xFFFFFFFC, v12;
	v7 =	vmov s11;
	[tilespmem:s5+$0x10] =	vst v8;
	v12 =	vmul.f32 v13, v4;
	v9 =	vld [tilespmem:s5+$0x90]  }
0x216: {  	s11 =	sadd.s32 $0x2, s12;
	s12 =	sadd.s32 $0x4, s12;
	v8 =	vbroadcast v14, $0x0;
	v14 =	vmov s15;
	[tilespmem:s5+$0x20] =	vst v15;
	v13 =	vmul.f32 v11, v4;
	v11 =	vld [tilespmem:s5+$0xA0]  }
0x217: {  	v15 =	vld [tilespmem:s5+$0xB0]  }
0x218: {  	v16 =	vmov s11;
	v17 =	vld [tilespmem:s5+$0xC0]  }
0x219: {  	v18 =	vld [tilespmem:s5+$0xD0];
	v16 =	vand.u32 $0xFFFFFFFE, v16  }
0x21a: {  	v19 =	vld [tilespmem:s5+$0xE0];
	v16 =	vbroadcast v16, $0x0  }
0x21b: {  	v55 =	vld [tilespmem:s5+$0xF0];
	[tilespmem:s5+$0x30] =	vst v12;
	v6 =	vmul.f32 v6, v4  }
0x21c: {  	v7 =	vld.idx.msk [tilespmem:v7+s10+$0x0], $0xffff;
	[tilespmem:s5+$0x40] =	vst v13;
	v56 =	vmul.f32 v5, v4  }
0x21d: {  	s12 =	sadd.s32 $0x200, s5;
	v57 =	vld.idx.msk [tilespmem:v8+s10+$0x0], $0xffff;
	v10 =	vmul.f32 v10, v3;
	[tilespmem:s5+$0x50] =	vst v6  }
0x21e: {  	v20 =	vld [tilespmem:s12+$0xFFFFFF10];
	v58 =	vmul.f32 v9, v3;
	[tilespmem:s5+$0x60] =	vst v56  }
0x21f: {  	v23 =	vld [tilespmem:s12+$0xFFFFFF30];
	[tilespmem:s5+$0x80] =	vst v10;
	v60 =	vmul.f32 v11, v3  }
0x220: {  	[tilespmem:s5+$0x90] =	vst v58;
	v62 =	vmul.f32 v15, v3;
	v61 =	vld.idx.msk [tilespmem:v16+s10+$0x0], $0xffff  }
0x221: {  	v18 =	vmul.f32 v18, v3;
	[tilespmem:s5+$0xA0] =	vst v60;
	v16 =	vmul.f32 v17, v3;
	v17 =	vld [tilespmem:s12+$0xFFFFFF00]  }
0x222: {  	v14 =	vand.u32 $0xFFFFFFFD, v14;
	v26 =	vld [tilespmem:s12+$0xFFFFFF50];
	v21 =	vmul.f32 v19, v3;
	[tilespmem:s5+$0xB0] =	vst v62  }
0x223: {  	v14 =	vbroadcast v14, $0x0;
	v22 =	vld [tilespmem:s12+$0xFFFFFF20];
	v27 =	vmul.f32 v20, v57;
	[tilespmem:s20+$0xD0] =	vst v18  }
0x224: {  	v29 =	vld [tilespmem:s12+$0xFFFFFF70];
	v3 =	vmul.f32 v55, v3;
	[tilespmem:s20+$0xE0] =	vst v21  }
0x225: {  	v24 =	vld [tilespmem:s12+$0xFFFFFF40];
	v6 =	vmul.f32 v23, v57;
	[tilespmem:s12+$0xFFFFFF10] =	vst v27  }
0x226: {  	v53 =	vld [tilespmem:s12+$0xA0];
	[tilespmem:s20+$0xF0] =	vst v3;
	v3 =	vmul.f32 v17, v57  }
0x227: {  	v28 =	vld [tilespmem:s12+$0xFFFFFF60];
	v32 =	vmul.f32 v26, v57;
	[tilespmem:s12+$0xFFFFFF30] =	vst v6  }
0x228: {  	v30 =	vld [tilespmem:s12+$0xFFFFFF80];
	[tilespmem:s12+$0xFFFFFF00] =	vst v3;
	v3 =	vmul.f32 v22, v57  }
0x229: {  	v5 =	vmul.f32 v29, v57;
	v59 =	vld.idx.msk [tilespmem:v14+s10+$0x0], $0xffff;
	[tilespmem:s12+$0xFFFFFF50] =	vst v32  }
0x22a: {  	v56 =	vld [tilespmem:s12+$0xC0];
	[tilespmem:s12+$0xFFFFFF20] =	vst v3;
	v3 =	vmul.f32 v24, v57  }
0x22b: {  	v33 =	vld [tilespmem:s12+$0xFFFFFFA0];
	v60 =	vmul.f32 v53, v7;
	[tilespmem:s12+$0xFFFFFF70] =	vst v5  }
0x22c: {  	v31 =	vld [tilespmem:s12+$0xFFFFFF90];
	[tilespmem:s12+$0xFFFFFF40] =	vst v3;
	v3 =	vmul.f32 v28, v57  }
0x22d: {  	v35 =	vld [tilespmem:s12+$0xFFFFFFC0];
	[tilespmem:s12+$0xA0] =	vst v60  }
0x22e: {  	v34 =	vld [tilespmem:s12+$0xFFFFFFB0];
	[tilespmem:s12+$0xFFFFFF60] =	vst v3;
	v3 =	vmul.f32 v30, v59  }
0x22f: {  	v37 =	vld [tilespmem:s12+$0xFFFFFFE0];
	v62 =	vmul.f32 v56, v7;
	[tilespmem:s20+$0xC0] =	vst v16  }
0x230: {  	v36 =	vld [tilespmem:s12+$0xFFFFFFD0];
	[tilespmem:s12+$0xFFFFFF80] =	vst v3;
	v3 =	vmul.f32 v33, v59  }
0x231: {  	v40 =	vld [tilespmem:s12+$0x0];
	[tilespmem:s12+$0xC0] =	vst v62;
	v4 =	vmul.f32 v31, v59  }
0x232: {  	v38 =	vld [tilespmem:s12+$0xFFFFFFF0];
	[tilespmem:s12+$0xFFFFFFA0] =	vst v3;
	v3 =	vmul.f32 v35, v59  }
0x233: {  	v43 =	vld [tilespmem:s12+$0x20];
	v39 =	vmul.f32 v34, v59;
	[tilespmem:s12+$0xFFFFFF90] =	vst v4  }
0x234: {  	v63 =	vld [tilespmem:s12+$0x70];
	[tilespmem:s12+$0xFFFFFFC0] =	vst v3;
	v3 =	vmul.f32 v37, v59  }
0x235: {  	v46 =	vld [tilespmem:s12+$0x40];
	v42 =	vmul.f32 v36, v59;
	[tilespmem:s12+$0xFFFFFFB0] =	vst v39  }
0x236: {  	v41 =	vld [tilespmem:s12+$0x10];
	[tilespmem:s12+$0xFFFFFFE0] =	vst v3;
	v3 =	vmul.f32 v40, v61  }
0x237: {  	v49 =	vld [tilespmem:s12+$0x60];
	v45 =	vmul.f32 v38, v59;
	[tilespmem:s12+$0xFFFFFFD0] =	vst v42  }
0x238: {  	v44 =	vld [tilespmem:s12+$0x30];
	[tilespmem:s12+$0x0] =	vst v3;
	v3 =	vmul.f32 v43, v61  }
0x239: {  	v52 =	vld [tilespmem:s12+$0x90];
	v25 =	vmul.f32 v63, v61;
	[tilespmem:s12+$0xFFFFFFF0] =	vst v45  }
0x23a: {  	v47 =	vld [tilespmem:s12+$0x50];
	[tilespmem:s12+$0x20] =	vst v3;
	v3 =	vmul.f32 v46, v61  }
0x23b: {  	v55 =	vld [tilespmem:s12+$0xB0];
	v48 =	vmul.f32 v41, v61;
	[tilespmem:s12+$0x70] =	vst v25  }
0x23c: {  	v50 =	vld [tilespmem:s12+$0x80];
	[tilespmem:s12+$0x40] =	vst v3;
	v3 =	vmul.f32 v49, v61  }
0x23d: {  	v58 =	vld [tilespmem:s12+$0xD0];
	v51 =	vmul.f32 v44, v61;
	[tilespmem:s12+$0x10] =	vst v48  }
0x23e: {  	v59 =	vld [tilespmem:s12+$0xE0];
	[tilespmem:s12+$0x60] =	vst v3;
	v3 =	vmul.f32 v52, v7  }
0x23f: {  	v54 =	vmul.f32 v47, v61;
	[tilespmem:s12+$0x30] =	vst v51;
	v61 =	vld [tilespmem:s12+$0xF0]  }
0x240: {  	[tilespmem:s12+$0x90] =	vst v3;
	v3 =	vmul.f32 v55, v7  }
0x241: {  	[tilespmem:s12+$0x50] =	vst v54;
	v57 =	vmul.f32 v50, v7  }
0x242: {  	[tilespmem:s12+$0xB0] =	vst v3;
	v3 =	vmul.f32 v58, v7  }
0x243: {  	[tilespmem:s12+$0x80] =	vst v57;
	v63 =	vmul.f32 v59, v7  }
0x244: {  	[tilespmem:s12+$0xD0] =	vst v3;
	v3 =	vmul.f32 v61, v7  }
.Ltmp9:
0x245: {  	[tilespmem:s12+$0xE0] =	vst v63;
	(pc) =	sbr.rel .LBB2_7-.Ltmp9, $4  }
0x246: {  	[tilespmem:s12+$0xF0] =	vst v3  }
0x247: {  	[spmem:s2] =	stream.indirect.scatter.add.f32 [tilespmem:s9], [sflag:$0x4], $0x80, s8, s30, $0xb8;
	[tilespmem:$0x1EF00] =	vst v63  }
0x248: {  	s18 =	sadd.s32 $0x1, s18  }
0x249: {  	[spmem:s4] =	stream.indirect.scatter.add.f32 [tilespmem:s10], [sflag:$0x6], $0x1, s8, s30, $0xb8;
	[tilespmem:$0x1EF00] =	vst v63  }
.LBB2_15:
0x24a: {  	_ =	sfence.sel $0x180000  }
0x24b: {  	[bflag:$0x0] =	sbarrier.arrive $0xFFFF  }
0x24c: {  	_ =	strace $0x90000047  }
0x24d: {  	s0 =	stileid.u32;
	[bflag:$0x2] =	sbarrier.arrive $0xFFFF  }
0x24e: {  	p0 =	sne.s32 s0, $0x0;
	s0 =	rddreg [dreg:$0x4]  }
0x24f: {  	s0 =	sadd.s32 @!p0 $0x100000, s0  }
0x250: {  	[sflag:s0] =	ssyncadd.tile.s32 @!p0 $0x1;
	_ =	shalt  }
.Lfunc_end2:
_tile_overlayer_lowered:
.L_overlay_start_2:
0x251: {  	(tag) =	ssettag $0x2  }
0x252: {  	s0 =	rddreg [dreg:$0x0];
	s2 =	stileid.u32  }
0x253: {  	s1 =	rddreg [dreg:$0x1];
	p0 =	sne.s32 s2, $0x0  }
0x254: {  	s3 =	rddreg [dreg:$0x2];
	[bflag:$0x3] =	sbarrier.arrive $0xFFFF;
	s2 =	simm.s32 @!p0 $0x1C07  }
0x255: {  	[timem:s3], [sflag:s2] =	dma.local @!p0 [hbm:s0], s1  }
0x256: {  	s0 =	simm.s32 @!p0 $0x7  }
0x257: {  	_ =	swait.ge @!p0 [sflag:s0], s1  }
0x258: {  	s1 =	ssub.s32 @!p0 $0x0, s1;
	[sflag:s0] =	ssyncset.done @!p0 $0x0  }
0x259: {  	[sflag:s0] =	ssyncadd.s32 @!p0 s1  }
0x25a: {  	[bflag:$0x3] =	sbarrier.arrive $0xFFFF  }
0x25b: {  	_ =	shalt  }

</sc_bundles>
